<compile_context>
chip_gen: v7x
topology: tpu7x:2x2x1
jax: 0.10.2.dev20260603
libtpu: 0.0.44.dev20260713+nightly
codegen_flags: <defaults>
</compile_context>

<pallas_src>
import functools
import math

import jax
import jax.numpy as jnp
from jax import lax
from jax.experimental import pallas as pl
from jax.experimental.pallas import tpu as pltpu
from jax.experimental.pallas import tpu_sc as plsc

_MBLK = 1536
_NCH = 3


def _dist_argmin_kernel(x_ref, cb_ref, idx_ref, esq_ref):
    cb = cb_ref[...]

    @pl.when(pl.program_id(0) == 0)
    def _():
        esq_ref[...] = jnp.sum(cb * cb, axis=1)[None, :]

    x = x_ref[...]
    x_sq = jnp.sum(x * x, axis=1, keepdims=True)
    e_sq = esq_ref[...]
    dot = lax.dot_general(x, cb, (((1,), (1,)), ((), ())),
                          preferred_element_type=jnp.float32)
    dist = x_sq + e_sq - 2.0 * dot
    idx_ref[0, 0, :] = jnp.argmin(dist, axis=1).astype(jnp.int32)


@functools.lru_cache(maxsize=None)
def _make_tc_scorer(n, c, k, blk0, nblk):
    return pl.pallas_call(
        _dist_argmin_kernel,
        grid=(nblk,),
        in_specs=[
            pl.BlockSpec((_MBLK, c), lambda i: (blk0 + i, 0)),
            pl.BlockSpec((k, c), lambda i: (0, 0)),
        ],
        out_specs=pl.BlockSpec((1, 1, _MBLK), lambda i: (i, 0, 0)),
        out_shape=jax.ShapeDtypeStruct((nblk, 1, _MBLK), jnp.int32),
        scratch_shapes=[pltpu.VMEM((1, k), jnp.float32)],
    )


def _dist_argmin_quant_kernel(x_ref, cb_ref, buf_ref, idx_ref, out_ref,
                              esq_ref, cbhi_ref, cblo_ref):
    mblk = x_ref.shape[0]
    kk = cb_ref.shape[0]
    cb = cb_ref[...]

    @pl.when(pl.program_id(0) == 0)
    def _():
        esq_ref[...] = jnp.sum(cb * cb, axis=1)[None, :]
        hi = cb.astype(jnp.bfloat16)
        cbhi_ref[...] = hi
        cblo_ref[...] = (cb - hi.astype(jnp.float32)).astype(jnp.bfloat16)

    x = x_ref[...]
    x_sq = jnp.sum(x * x, axis=1, keepdims=True)
    e_sq = esq_ref[...]
    dot = lax.dot_general(x, cb, (((1,), (1,)), ((), ())),
                          preferred_element_type=jnp.float32)
    dist = x_sq + e_sq - 2.0 * dot
    idx = jnp.argmin(dist, axis=1).astype(jnp.int32)
    idx_ref[0, 0, :] = idx
    iota = lax.broadcasted_iota(jnp.int32, (mblk, kk), 1)
    onehot = (iota == idx[:, None]).astype(jnp.bfloat16)
    q = lax.dot_general(onehot, cbhi_ref[...], (((1,), (0,)), ((), ())),
                        preferred_element_type=jnp.float32)
    q = q + lax.dot_general(onehot, cblo_ref[...], (((1,), (0,)), ((), ())),
                            preferred_element_type=jnp.float32)
    out_ref[...] = q


@functools.lru_cache(maxsize=None)
def _make_tc_scorer_quant(n, c, k, blk0, nblk):
    return pl.pallas_call(
        _dist_argmin_quant_kernel,
        grid=(nblk,),
        in_specs=[
            pl.BlockSpec((_MBLK, c), lambda i: (blk0 + i, 0)),
            pl.BlockSpec((k, c), lambda i: (0, 0)),
            pl.BlockSpec(memory_space=pl.ANY),
        ],
        out_specs=[
            pl.BlockSpec((1, 1, _MBLK), lambda i: (i, 0, 0)),
            pl.BlockSpec((_MBLK, c), lambda i: (blk0 + i, 0)),
        ],
        out_shape=[
            jax.ShapeDtypeStruct((nblk, 1, _MBLK), jnp.int32),
            jax.ShapeDtypeStruct((n, c), jnp.float32),
        ],
        scratch_shapes=[pltpu.VMEM((1, k), jnp.float32),
                        pltpu.VMEM((k, c), jnp.bfloat16),
                        pltpu.VMEM((k, c), jnp.bfloat16)],
        input_output_aliases={2: 1},
    )


@functools.lru_cache(maxsize=None)
def _make_sc_gather(nidx, nout, k, d):
    nc, ns = 2, 16
    nw = nc * ns
    assert nidx % nw == 0
    b_per_w = nidx // nw
    chunk = 96 if b_per_w % 96 == 0 else 72
    assert b_per_w % chunk == 0 and chunk % 8 == 0
    nchunk = b_per_w // chunk
    mesh = plsc.VectorSubcoreMesh(core_axis_name="c", subcore_axis_name="s")

    @functools.partial(
        pl.kernel,
        mesh=mesh,
        out_type=jax.ShapeDtypeStruct((nout, d), jnp.float32),
        scratch_types=[
            pltpu.VMEM((nchunk, chunk), jnp.int32),
            pltpu.VMEM((2, chunk, d), jnp.float32),
            pltpu.SemaphoreType.DMA,
            pltpu.SemaphoreType.DMA,
            pltpu.SemaphoreType.DMA,
            pltpu.SemaphoreType.DMA,
            pltpu.SemaphoreType.DMA,
        ],
    )
    def gather_kernel(cb_hbm, idx_hbm, out_hbm, idx2d, rows_v,
                      isem, g0, g1, w0, w1):
        wid = lax.axis_index("s") * nc + lax.axis_index("c")
        base = wid * b_per_w
        gsem = (g0, g1)
        wsem = (w0, w1)
        cps = [pltpu.async_copy(idx_hbm.at[pl.ds(base + ci * chunk, chunk)],
                                idx2d.at[ci], isem)
               for ci in range(nchunk)]
        for cp in cps:
            cp.wait()
        gathers = [None] * nchunk
        pending_w = [None, None]
        gathers[0] = pltpu.async_copy(cb_hbm.at[idx2d.at[0]],
                                      rows_v.at[0], gsem[0])
        for ci in range(nchunk):
            b = ci % 2
            nb = (ci + 1) % 2
            if ci + 1 < nchunk:
                if pending_w[nb] is not None:
                    pending_w[nb].wait()
                    pending_w[nb] = None
                gathers[ci + 1] = pltpu.async_copy(
                    cb_hbm.at[idx2d.at[ci + 1]], rows_v.at[nb], gsem[nb])
            gathers[ci].wait()
            pending_w[b] = pltpu.async_copy(
                rows_v.at[b], out_hbm.at[pl.ds(base + ci * chunk, chunk)],
                wsem[b])
        for b in range(2):
            if pending_w[b] is not None:
                pending_w[b].wait()

    return gather_kernel


def _copy_block_kernel(q_ref, buf_ref, o_ref):
    o_ref[...] = q_ref[...]


@functools.lru_cache(maxsize=None)
def _make_assembler(n, ch, d, row0):
    nblkc = ch // _MBLK
    blk0 = row0 // _MBLK
    return pl.pallas_call(
        _copy_block_kernel,
        grid=(nblkc,),
        in_specs=[
            pl.BlockSpec((_MBLK, d), lambda i: (i, 0)),
            pl.BlockSpec(memory_space=pl.ANY),
        ],
        out_specs=pl.BlockSpec((_MBLK, d), lambda i: (blk0 + i, 0)),
        out_shape=jax.ShapeDtypeStruct((n, d), jnp.float32),
        input_output_aliases={1: 0},
    )


def kernel(in_feas, codebook):
    bq, lq, cq = in_feas.shape
    x = in_feas.reshape(-1, cq)
    n = x.shape[0]
    k, d = codebook.shape
    nblk = n // _MBLK
    blk_per_ch = nblk // _NCH
    ch = blk_per_ch * _MBLK
    n_sc = _NCH - 1
    idxs = []
    qparts = []
    for i in range(n_sc):
        scorer = _make_tc_scorer(n, cq, k, i * blk_per_ch, blk_per_ch)
        idx_i = scorer(x, codebook).reshape(-1)
        idxs.append(idx_i)
        nout = n if i == 0 else ch
        qparts.append(_make_sc_gather(ch, nout, k, d)(codebook, idx_i))
    quant = qparts[0]
    for i in range(n_sc, _NCH):
        scorer_q = _make_tc_scorer_quant(n, cq, k, i * blk_per_ch, blk_per_ch)
        idx_i, quant = scorer_q(x, codebook, quant)
        idxs.append(idx_i.reshape(-1))
    for i in range(1, n_sc):
        quant = lax.dynamic_update_slice(quant, qparts[i], (i * ch, 0))
    idx = jnp.concatenate(idxs, axis=0)
    h = int(math.sqrt(lq))
    w = lq // h
    return quant.reshape(bq, lq, cq), idx.reshape(bq, h, w)

# --- scband reference (transcript-rebuilt; emitter-appended) ---
"""Pipeline reference for scband-soft-region-55293408969027 (READ-ONLY COPY).

The authoritative reference and input builder live on the scoring server;
editing this copy changes nothing except your own understanding.
"""

import jax, jax.numpy as jnp
import numpy as np
import math

NUM_TOKENS = 1024
TOKEN_DIM = 256
B, L, C = 32, 576, 256

def setup_inputs(seed: int = 0) -> dict:
    key = jax.random.key(seed)
    k1, k2 = jax.random.split(key)
    in_feas = jax.random.normal(k1, (B, L, C), dtype=jnp.float32)
    codebook = jax.random.normal(k2, (NUM_TOKENS, TOKEN_DIM), dtype=jnp.float32)
    return {"in_feas": in_feas, "codebook": codebook}

def reference(in_feas, codebook):
    # SoftRegion forward, default path (att=False, selecting=False,
    # learn_region=False, build_tube=False, num_frames=1).
    Bq, Lq, Cq = in_feas.shape
    vd_inputs = in_feas.reshape(-1, Cq)
    # SOHO_Pre_VD visual dictionary forward: nearest-neighbor vector quantization
    # with straight-through estimator (inference path; EMA update is a no-op for output).
    x_sq = jnp.sum(vd_inputs ** 2, axis=1, keepdims=True)            # [N, 1]
    e_sq = jnp.sum(codebook ** 2, axis=1)[None, :]                   # [1, K]
    dist = x_sq + e_sq - 2.0 * (vd_inputs @ codebook.T)              # [N, K]
    encoding_indices = jnp.argmin(dist, axis=1)                      # [N]
    quantized = jnp.take(codebook, encoding_indices, axis=0)         # [N, C]
    vd_outputs = vd_inputs + jax.lax.stop_gradient(quantized - vd_inputs)
    h = int(math.sqrt(Lq))
    w = int(Lq // h)
    encoding_indices = encoding_indices.reshape(-1, h, w)
    vd_outputs = vd_outputs.reshape(Bq, Lq, Cq)
    return (vd_outputs, encoding_indices)

if __name__ == "__main__":
    import jax
    _d = setup_inputs()
    print(jax.jit(kernel)(*tuple(_d.values())))

</pallas_src>

<mosaic_0001>
#map = affine_map<(d0, d1) -> (0, 0)>
#map1 = affine_map<(d0, d1) -> (0)>
module attributes {stable_mosaic.version = 14 : i64} {
  func.func @gather_kernel(%arg0: i32, %arg1: i32, %arg2: memref<1024x256xf32, #tpu.memory_space<hbm>>, %arg3: memref<6144xi32, #tpu.memory_space<hbm>>, %arg4: memref<6144x256xf32, #tpu.memory_space<hbm>>, %arg5: memref<2x96xi32, #tpu.memory_space<vmem>>, %arg6: memref<2x96x256xf32, #tpu.memory_space<vmem>>, %arg7: memref<!tpu.dma_semaphore, #tpu.memory_space<semaphore_mem>>, %arg8: memref<!tpu.dma_semaphore, #tpu.memory_space<semaphore_mem>>, %arg9: memref<!tpu.dma_semaphore, #tpu.memory_space<semaphore_mem>>, %arg10: memref<!tpu.dma_semaphore, #tpu.memory_space<semaphore_mem>>, %arg11: memref<!tpu.dma_semaphore, #tpu.memory_space<semaphore_mem>>) attributes {dimension_semantics = [#tpu.dimension_semantics<core_parallel>, #tpu.dimension_semantics<subcore_parallel>], iteration_bounds = array<i64: 2, 16>, scalar_prefetch = 0 : i64, scratch_operands = 7 : i64, tpu.core_type = #tpu.core_type<sc_vector_subcore>, window_params = [{transform_indices = #map}, {transform_indices = #map1}, {transform_indices = #map}]} {
    %mul3A = arith.constant 2 : i32
    %mul3A_0 = arith.muli %arg1, %mul3A : i32
    %add3A = arith.addi %mul3A_0, %arg0 : i32
    %mul3A_1 = arith.constant 192 : i32
    %mul3A_2 = arith.muli %add3A, %mul3A_1 : i32
    %add3A_3 = arith.constant 0 : i32
    %add3A_4 = arith.addi %mul3A_2, %add3A_3 : i32
    %dma_start3A = arith.constant 0 : i32
    %dma_start3A_5 = arith.constant 0 : i32
    %dma_start3A_6 = tpu.memref_slice %arg5[%dma_start3A, %dma_start3A_5] : memref<2x96xi32, #tpu.memory_space<vmem>> -> memref<1x96xi32, #tpu.memory_space<vmem>>
    %dma_start3A_7 = tpu.memref_squeeze %dma_start3A_6 : memref<1x96xi32, #tpu.memory_space<vmem>> -> memref<96xi32, #tpu.memory_space<vmem>>
    %dma_start3A_8 = tpu.memref_slice %arg3[%add3A_4] : memref<6144xi32, #tpu.memory_space<hbm>> -> memref<96xi32, #tpu.memory_space<hbm>>
    %dma_start3A_9 = arith.constant 0 : i32
    %dma_start3A_10 = tpu.memref_slice %arg5[%dma_start3A, %dma_start3A_9] : memref<2x96xi32, #tpu.memory_space<vmem>> -> memref<1x96xi32, #tpu.memory_space<vmem>>
    %dma_start3A_11 = tpu.memref_squeeze %dma_start3A_10 : memref<1x96xi32, #tpu.memory_space<vmem>> -> memref<96xi32, #tpu.memory_space<vmem>>
    %dma_start3A_12 = tpu.memref_slice %arg3[%add3A_4] : memref<6144xi32, #tpu.memory_space<hbm>> -> memref<96xi32, #tpu.memory_space<hbm>>
    tpu.enqueue_dma source(%dma_start3A_12 : memref<96xi32, #tpu.memory_space<hbm>>) target(%dma_start3A_11 : memref<96xi32, #tpu.memory_space<vmem>>) target_semaphore(%arg7 : memref<!tpu.dma_semaphore, #tpu.memory_space<semaphore_mem>>)
    %add3A_13 = arith.constant 96 : i32
    %add3A_14 = arith.addi %mul3A_2, %add3A_13 : i32
    %dma_start3A_15 = arith.constant 1 : i32
    %dma_start3A_16 = arith.constant 0 : i32
    %dma_start3A_17 = tpu.memref_slice %arg5[%dma_start3A_15, %dma_start3A_16] : memref<2x96xi32, #tpu.memory_space<vmem>> -> memref<1x96xi32, #tpu.memory_space<vmem>>
    %dma_start3A_18 = tpu.memref_squeeze %dma_start3A_17 : memref<1x96xi32, #tpu.memory_space<vmem>> -> memref<96xi32, #tpu.memory_space<vmem>>
    %dma_start3A_19 = tpu.memref_slice %arg3[%add3A_14] : memref<6144xi32, #tpu.memory_space<hbm>> -> memref<96xi32, #tpu.memory_space<hbm>>
    %dma_start3A_20 = arith.constant 0 : i32
    %dma_start3A_21 = tpu.memref_slice %arg5[%dma_start3A_15, %dma_start3A_20] : memref<2x96xi32, #tpu.memory_space<vmem>> -> memref<1x96xi32, #tpu.memory_space<vmem>>
    %dma_start3A_22 = tpu.memref_squeeze %dma_start3A_21 : memref<1x96xi32, #tpu.memory_space<vmem>> -> memref<96xi32, #tpu.memory_space<vmem>>
    %dma_start3A_23 = tpu.memref_slice %arg3[%add3A_14] : memref<6144xi32, #tpu.memory_space<hbm>> -> memref<96xi32, #tpu.memory_space<hbm>>
    tpu.enqueue_dma source(%dma_start3A_23 : memref<96xi32, #tpu.memory_space<hbm>>) target(%dma_start3A_22 : memref<96xi32, #tpu.memory_space<vmem>>) target_semaphore(%arg7 : memref<!tpu.dma_semaphore, #tpu.memory_space<semaphore_mem>>)
    %dma_wait3A = arith.constant 0 : i32
    %dma_wait3A_24 = arith.constant 0 : i32
    %dma_wait3A_25 = tpu.memref_slice %arg5[%dma_wait3A, %dma_wait3A_24] : memref<2x96xi32, #tpu.memory_space<vmem>> -> memref<1x96xi32, #tpu.memory_space<vmem>>
    %dma_wait3A_26 = tpu.memref_squeeze %dma_wait3A_25 : memref<1x96xi32, #tpu.memory_space<vmem>> -> memref<96xi32, #tpu.memory_space<vmem>>
    %dma_wait3A_27 = tpu.memref_slice %arg3[%add3A_4] : memref<6144xi32, #tpu.memory_space<hbm>> -> memref<96xi32, #tpu.memory_space<hbm>>
    %dma_wait3A_28 = arith.constant 0 : i32
    %dma_wait3A_29 = tpu.memref_slice %arg5[%dma_wait3A, %dma_wait3A_28] : memref<2x96xi32, #tpu.memory_space<vmem>> -> memref<1x96xi32, #tpu.memory_space<vmem>>
    %dma_wait3A_30 = tpu.memref_squeeze %dma_wait3A_29 : memref<1x96xi32, #tpu.memory_space<vmem>> -> memref<96xi32, #tpu.memory_space<vmem>>
    %dma_wait3A_31 = tpu.memref_slice %arg3[%add3A_4] : memref<6144xi32, #tpu.memory_space<hbm>> -> memref<96xi32, #tpu.memory_space<hbm>>
    tpu.wait_dma2 semaphore(%arg7 : memref<!tpu.dma_semaphore, #tpu.memory_space<semaphore_mem>>) src(%dma_wait3A_31 : memref<96xi32, #tpu.memory_space<hbm>>) dst(%dma_wait3A_30 : memref<96xi32, #tpu.memory_space<vmem>>)
    %dma_wait3A_32 = arith.constant 1 : i32
    %dma_wait3A_33 = arith.constant 0 : i32
    %dma_wait3A_34 = tpu.memref_slice %arg5[%dma_wait3A_32, %dma_wait3A_33] : memref<2x96xi32, #tpu.memory_space<vmem>> -> memref<1x96xi32, #tpu.memory_space<vmem>>
    %dma_wait3A_35 = tpu.memref_squeeze %dma_wait3A_34 : memref<1x96xi32, #tpu.memory_space<vmem>> -> memref<96xi32, #tpu.memory_space<vmem>>
    %dma_wait3A_36 = tpu.memref_slice %arg3[%add3A_14] : memref<6144xi32, #tpu.memory_space<hbm>> -> memref<96xi32, #tpu.memory_space<hbm>>
    %dma_wait3A_37 = arith.constant 0 : i32
    %dma_wait3A_38 = tpu.memref_slice %arg5[%dma_wait3A_32, %dma_wait3A_37] : memref<2x96xi32, #tpu.memory_space<vmem>> -> memref<1x96xi32, #tpu.memory_space<vmem>>
    %dma_wait3A_39 = tpu.memref_squeeze %dma_wait3A_38 : memref<1x96xi32, #tpu.memory_space<vmem>> -> memref<96xi32, #tpu.memory_space<vmem>>
    %dma_wait3A_40 = tpu.memref_slice %arg3[%add3A_14] : memref<6144xi32, #tpu.memory_space<hbm>> -> memref<96xi32, #tpu.memory_space<hbm>>
    tpu.wait_dma2 semaphore(%arg7 : memref<!tpu.dma_semaphore, #tpu.memory_space<semaphore_mem>>) src(%dma_wait3A_40 : memref<96xi32, #tpu.memory_space<hbm>>) dst(%dma_wait3A_39 : memref<96xi32, #tpu.memory_space<vmem>>)
    %dma_start3A_41 = arith.constant 0 : i32
    %dma_start3A_42 = arith.constant 0 : i32
    %dma_start3A_43 = arith.constant 0 : i32
    %dma_start3A_44 = arith.constant 0 : i32
    %dma_start3A_45 = tpu.memref_slice %arg6[%dma_start3A_42, %dma_start3A_43, %dma_start3A_44] : memref<2x96x256xf32, #tpu.memory_space<vmem>> -> memref<1x96x256xf32, #tpu.memory_space<vmem>>
    %dma_start3A_46 = tpu.memref_squeeze %dma_start3A_45 : memref<1x96x256xf32, #tpu.memory_space<vmem>> -> memref<96x256xf32, #tpu.memory_space<vmem>>
    %dma_start3A_47 = arith.constant 0 : i32
    %dma_start3A_48 = tpu.memref_slice %arg5[%dma_start3A_41, %dma_start3A_47] : memref<2x96xi32, #tpu.memory_space<vmem>> -> memref<1x96xi32, #tpu.memory_space<vmem>>
    %dma_start3A_49 = tpu.memref_squeeze %dma_start3A_48 : memref<1x96xi32, #tpu.memory_space<vmem>> -> memref<96xi32, #tpu.memory_space<vmem>>
    %dma_start3A_50 = arith.constant 0 : i32
    %dma_start3A_51 = arith.constant 0 : i32
    %dma_start3A_52 = tpu.memref_slice %arg2[%dma_start3A_50, %dma_start3A_51] : memref<1024x256xf32, #tpu.memory_space<hbm>> -> memref<1024x256xf32, #tpu.memory_space<hbm>>
    tpu.enqueue_indirect_dma source(%dma_start3A_52 : memref<1024x256xf32, #tpu.memory_space<hbm>>) target(%dma_start3A_46 : memref<96x256xf32, #tpu.memory_space<vmem>>) offsets(%dma_start3A_49 : memref<96xi32, #tpu.memory_space<vmem>>) semaphore(%arg8 : memref<!tpu.dma_semaphore, #tpu.memory_space<semaphore_mem>>)
    %dma_start3A_53 = arith.constant 1 : i32
    %dma_start3A_54 = arith.constant 1 : i32
    %dma_start3A_55 = arith.constant 0 : i32
    %dma_start3A_56 = arith.constant 0 : i32
    %dma_start3A_57 = tpu.memref_slice %arg6[%dma_start3A_54, %dma_start3A_55, %dma_start3A_56] : memref<2x96x256xf32, #tpu.memory_space<vmem>> -> memref<1x96x256xf32, #tpu.memory_space<vmem>>
    %dma_start3A_58 = tpu.memref_squeeze %dma_start3A_57 : memref<1x96x256xf32, #tpu.memory_space<vmem>> -> memref<96x256xf32, #tpu.memory_space<vmem>>
    %dma_start3A_59 = arith.constant 0 : i32
    %dma_start3A_60 = tpu.memref_slice %arg5[%dma_start3A_53, %dma_start3A_59] : memref<2x96xi32, #tpu.memory_space<vmem>> -> memref<1x96xi32, #tpu.memory_space<vmem>>
    %dma_start3A_61 = tpu.memref_squeeze %dma_start3A_60 : memref<1x96xi32, #tpu.memory_space<vmem>> -> memref<96xi32, #tpu.memory_space<vmem>>
    %dma_start3A_62 = arith.constant 0 : i32
    %dma_start3A_63 = arith.constant 0 : i32
    %dma_start3A_64 = tpu.memref_slice %arg2[%dma_start3A_62, %dma_start3A_63] : memref<1024x256xf32, #tpu.memory_space<hbm>> -> memref<1024x256xf32, #tpu.memory_space<hbm>>
    tpu.enqueue_indirect_dma source(%dma_start3A_64 : memref<1024x256xf32, #tpu.memory_space<hbm>>) target(%dma_start3A_58 : memref<96x256xf32, #tpu.memory_space<vmem>>) offsets(%dma_start3A_61 : memref<96xi32, #tpu.memory_space<vmem>>) semaphore(%arg9 : memref<!tpu.dma_semaphore, #tpu.memory_space<semaphore_mem>>)
    %dma_wait3A_65 = arith.constant 0 : i32
    %dma_wait3A_66 = arith.constant 0 : i32
    %dma_wait3A_67 = arith.constant 0 : i32
    %dma_wait3A_68 = arith.constant 0 : i32
    %dma_wait3A_69 = tpu.memref_slice %arg6[%dma_wait3A_66, %dma_wait3A_67, %dma_wait3A_68] : memref<2x96x256xf32, #tpu.memory_space<vmem>> -> memref<1x96x256xf32, #tpu.memory_space<vmem>>
    %dma_wait3A_70 = tpu.memref_squeeze %dma_wait3A_69 : memref<1x96x256xf32, #tpu.memory_space<vmem>> -> memref<96x256xf32, #tpu.memory_space<vmem>>
    %dma_wait3A_71 = arith.constant 0 : i32
    %dma_wait3A_72 = tpu.memref_slice %arg5[%dma_wait3A_65, %dma_wait3A_71] : memref<2x96xi32, #tpu.memory_space<vmem>> -> memref<1x96xi32, #tpu.memory_space<vmem>>
    %dma_wait3A_73 = tpu.memref_squeeze %dma_wait3A_72 : memref<1x96xi32, #tpu.memory_space<vmem>> -> memref<96xi32, #tpu.memory_space<vmem>>
    %dma_wait3A_74 = arith.constant 0 : i32
    %dma_wait3A_75 = arith.constant 0 : i32
    %dma_wait3A_76 = tpu.memref_slice %arg2[%dma_wait3A_74, %dma_wait3A_75] : memref<1024x256xf32, #tpu.memory_space<hbm>> -> memref<1024x256xf32, #tpu.memory_space<hbm>>
    tpu.wait_indirect_dma semaphore(%arg8 : memref<!tpu.dma_semaphore, #tpu.memory_space<semaphore_mem>>) src(%dma_wait3A_76 : memref<1024x256xf32, #tpu.memory_space<hbm>>) dst(%dma_wait3A_70 : memref<96x256xf32, #tpu.memory_space<vmem>>)
    %add3A_77 = arith.constant 0 : i32
    %add3A_78 = arith.addi %mul3A_2, %add3A_77 : i32
    %dma_start3A_79 = arith.constant 0 : i32
    %dma_start3A_80 = arith.constant 0 : i32
    %dma_start3A_81 = arith.constant 0 : i32
    %dma_start3A_82 = tpu.memref_slice %arg6[%dma_start3A_79, %dma_start3A_80, %dma_start3A_81] : memref<2x96x256xf32, #tpu.memory_space<vmem>> -> memref<1x96x256xf32, #tpu.memory_space<vmem>>
    %dma_start3A_83 = tpu.memref_squeeze %dma_start3A_82 : memref<1x96x256xf32, #tpu.memory_space<vmem>> -> memref<96x256xf32, #tpu.memory_space<vmem>>
    %dma_start3A_84 = arith.constant 0 : i32
    %dma_start3A_85 = tpu.memref_slice %arg4[%add3A_78, %dma_start3A_84] : memref<6144x256xf32, #tpu.memory_space<hbm>> -> memref<96x256xf32, #tpu.memory_space<hbm>>
    %dma_start3A_86 = arith.constant 0 : i32
    %dma_start3A_87 = tpu.memref_slice %arg4[%add3A_78, %dma_start3A_86] : memref<6144x256xf32, #tpu.memory_space<hbm>> -> memref<96x256xf32, #tpu.memory_space<hbm>>
    %dma_start3A_88 = arith.constant 0 : i32
    %dma_start3A_89 = arith.constant 0 : i32
    %dma_start3A_90 = tpu.memref_slice %arg6[%dma_start3A_79, %dma_start3A_88, %dma_start3A_89] : memref<2x96x256xf32, #tpu.memory_space<vmem>> -> memref<1x96x256xf32, #tpu.memory_space<vmem>>
    %dma_start3A_91 = tpu.memref_squeeze %dma_start3A_90 : memref<1x96x256xf32, #tpu.memory_space<vmem>> -> memref<96x256xf32, #tpu.memory_space<vmem>>
    tpu.enqueue_dma source(%dma_start3A_91 : memref<96x256xf32, #tpu.memory_space<vmem>>) target(%dma_start3A_87 : memref<96x256xf32, #tpu.memory_space<hbm>>) target_semaphore(%arg10 : memref<!tpu.dma_semaphore, #tpu.memory_space<semaphore_mem>>)
    %dma_wait3A_92 = arith.constant 1 : i32
    %dma_wait3A_93 = arith.constant 1 : i32
    %dma_wait3A_94 = arith.constant 0 : i32
    %dma_wait3A_95 = arith.constant 0 : i32
    %dma_wait3A_96 = tpu.memref_slice %arg6[%dma_wait3A_93, %dma_wait3A_94, %dma_wait3A_95] : memref<2x96x256xf32, #tpu.memory_space<vmem>> -> memref<1x96x256xf32, #tpu.memory_space<vmem>>
    %dma_wait3A_97 = tpu.memref_squeeze %dma_wait3A_96 : memref<1x96x256xf32, #tpu.memory_space<vmem>> -> memref<96x256xf32, #tpu.memory_space<vmem>>
    %dma_wait3A_98 = arith.constant 0 : i32
    %dma_wait3A_99 = tpu.memref_slice %arg5[%dma_wait3A_92, %dma_wait3A_98] : memref<2x96xi32, #tpu.memory_space<vmem>> -> memref<1x96xi32, #tpu.memory_space<vmem>>
    %dma_wait3A_100 = tpu.memref_squeeze %dma_wait3A_99 : memref<1x96xi32, #tpu.memory_space<vmem>> -> memref<96xi32, #tpu.memory_space<vmem>>
    %dma_wait3A_101 = arith.constant 0 : i32
    %dma_wait3A_102 = arith.constant 0 : i32
    %dma_wait3A_103 = tpu.memref_slice %arg2[%dma_wait3A_101, %dma_wait3A_102] : memref<1024x256xf32, #tpu.memory_space<hbm>> -> memref<1024x256xf32, #tpu.memory_space<hbm>>
    tpu.wait_indirect_dma semaphore(%arg9 : memref<!tpu.dma_semaphore, #tpu.memory_space<semaphore_mem>>) src(%dma_wait3A_103 : memref<1024x256xf32, #tpu.memory_space<hbm>>) dst(%dma_wait3A_97 : memref<96x256xf32, #tpu.memory_space<vmem>>)
    %add3A_104 = arith.constant 96 : i32
    %add3A_105 = arith.addi %mul3A_2, %add3A_104 : i32
    %dma_start3A_106 = arith.constant 1 : i32
    %dma_start3A_107 = arith.constant 0 : i32
    %dma_start3A_108 = arith.constant 0 : i32
    %dma_start3A_109 = tpu.memref_slice %arg6[%dma_start3A_106, %dma_start3A_107, %dma_start3A_108] : memref<2x96x256xf32, #tpu.memory_space<vmem>> -> memref<1x96x256xf32, #tpu.memory_space<vmem>>
    %dma_start3A_110 = tpu.memref_squeeze %dma_start3A_109 : memref<1x96x256xf32, #tpu.memory_space<vmem>> -> memref<96x256xf32, #tpu.memory_space<vmem>>
    %dma_start3A_111 = arith.constant 0 : i32
    %dma_start3A_112 = tpu.memref_slice %arg4[%add3A_105, %dma_start3A_111] : memref<6144x256xf32, #tpu.memory_space<hbm>> -> memref<96x256xf32, #tpu.memory_space<hbm>>
    %dma_start3A_113 = arith.constant 0 : i32
    %dma_start3A_114 = tpu.memref_slice %arg4[%add3A_105, %dma_start3A_113] : memref<6144x256xf32, #tpu.memory_space<hbm>> -> memref<96x256xf32, #tpu.memory_space<hbm>>
    %dma_start3A_115 = arith.constant 0 : i32
    %dma_start3A_116 = arith.constant 0 : i32
    %dma_start3A_117 = tpu.memref_slice %arg6[%dma_start3A_106, %dma_start3A_115, %dma_start3A_116] : memref<2x96x256xf32, #tpu.memory_space<vmem>> -> memref<1x96x256xf32, #tpu.memory_space<vmem>>
    %dma_start3A_118 = tpu.memref_squeeze %dma_start3A_117 : memref<1x96x256xf32, #tpu.memory_space<vmem>> -> memref<96x256xf32, #tpu.memory_space<vmem>>
    tpu.enqueue_dma source(%dma_start3A_118 : memref<96x256xf32, #tpu.memory_space<vmem>>) target(%dma_start3A_114 : memref<96x256xf32, #tpu.memory_space<hbm>>) target_semaphore(%arg11 : memref<!tpu.dma_semaphore, #tpu.memory_space<semaphore_mem>>)
    %dma_wait3A_119 = arith.constant 0 : i32
    %dma_wait3A_120 = arith.constant 0 : i32
    %dma_wait3A_121 = arith.constant 0 : i32
    %dma_wait3A_122 = tpu.memref_slice %arg6[%dma_wait3A_119, %dma_wait3A_120, %dma_wait3A_121] : memref<2x96x256xf32, #tpu.memory_space<vmem>> -> memref<1x96x256xf32, #tpu.memory_space<vmem>>
    %dma_wait3A_123 = tpu.memref_squeeze %dma_wait3A_122 : memref<1x96x256xf32, #tpu.memory_space<vmem>> -> memref<96x256xf32, #tpu.memory_space<vmem>>
    %dma_wait3A_124 = arith.constant 0 : i32
    %dma_wait3A_125 = tpu.memref_slice %arg4[%add3A_78, %dma_wait3A_124] : memref<6144x256xf32, #tpu.memory_space<hbm>> -> memref<96x256xf32, #tpu.memory_space<hbm>>
    %dma_wait3A_126 = arith.constant 0 : i32
    %dma_wait3A_127 = tpu.memref_slice %arg4[%add3A_78, %dma_wait3A_126] : memref<6144x256xf32, #tpu.memory_space<hbm>> -> memref<96x256xf32, #tpu.memory_space<hbm>>
    %dma_wait3A_128 = arith.constant 0 : i32
    %dma_wait3A_129 = arith.constant 0 : i32
    %dma_wait3A_130 = tpu.memref_slice %arg6[%dma_wait3A_119, %dma_wait3A_128, %dma_wait3A_129] : memref<2x96x256xf32, #tpu.memory_space<vmem>> -> memref<1x96x256xf32, #tpu.memory_space<vmem>>
    %dma_wait3A_131 = tpu.memref_squeeze %dma_wait3A_130 : memref<1x96x256xf32, #tpu.memory_space<vmem>> -> memref<96x256xf32, #tpu.memory_space<vmem>>
    tpu.wait_dma2 semaphore(%arg10 : memref<!tpu.dma_semaphore, #tpu.memory_space<semaphore_mem>>) src(%dma_wait3A_131 : memref<96x256xf32, #tpu.memory_space<vmem>>) dst(%dma_wait3A_127 : memref<96x256xf32, #tpu.memory_space<hbm>>)
    %dma_wait3A_132 = arith.constant 1 : i32
    %dma_wait3A_133 = arith.constant 0 : i32
    %dma_wait3A_134 = arith.constant 0 : i32
    %dma_wait3A_135 = tpu.memref_slice %arg6[%dma_wait3A_132, %dma_wait3A_133, %dma_wait3A_134] : memref<2x96x256xf32, #tpu.memory_space<vmem>> -> memref<1x96x256xf32, #tpu.memory_space<vmem>>
    %dma_wait3A_136 = tpu.memref_squeeze %dma_wait3A_135 : memref<1x96x256xf32, #tpu.memory_space<vmem>> -> memref<96x256xf32, #tpu.memory_space<vmem>>
    %dma_wait3A_137 = arith.constant 0 : i32
    %dma_wait3A_138 = tpu.memref_slice %arg4[%add3A_105, %dma_wait3A_137] : memref<6144x256xf32, #tpu.memory_space<hbm>> -> memref<96x256xf32, #tpu.memory_space<hbm>>
    %dma_wait3A_139 = arith.constant 0 : i32
    %dma_wait3A_140 = tpu.memref_slice %arg4[%add3A_105, %dma_wait3A_139] : memref<6144x256xf32, #tpu.memory_space<hbm>> -> memref<96x256xf32, #tpu.memory_space<hbm>>
    %dma_wait3A_141 = arith.constant 0 : i32
    %dma_wait3A_142 = arith.constant 0 : i32
    %dma_wait3A_143 = tpu.memref_slice %arg6[%dma_wait3A_132, %dma_wait3A_141, %dma_wait3A_142] : memref<2x96x256xf32, #tpu.memory_space<vmem>> -> memref<1x96x256xf32, #tpu.memory_space<vmem>>
    %dma_wait3A_144 = tpu.memref_squeeze %dma_wait3A_143 : memref<1x96x256xf32, #tpu.memory_space<vmem>> -> memref<96x256xf32, #tpu.memory_space<vmem>>
    tpu.wait_dma2 semaphore(%arg11 : memref<!tpu.dma_semaphore, #tpu.memory_space<semaphore_mem>>) src(%dma_wait3A_144 : memref<96x256xf32, #tpu.memory_space<vmem>>) dst(%dma_wait3A_140 : memref<96x256xf32, #tpu.memory_space<hbm>>)
    return
  }
}

#map = affine_map<(d0, d1) -> (0, 0)>
#map1 = affine_map<(d0, d1) -> (0)>
module attributes {stable_mosaic.version = 14 : i64} {
  func.func @gather_kernel(%arg0: i32, %arg1: i32, %arg2: memref<1024x256xf32, #tpu.memory_space<hbm>>, %arg3: memref<6144xi32, #tpu.memory_space<hbm>>, %arg4: memref<18432x256xf32, #tpu.memory_space<hbm>>, %arg5: memref<2x96xi32, #tpu.memory_space<vmem>>, %arg6: memref<2x96x256xf32, #tpu.memory_space<vmem>>, %arg7: memref<!tpu.dma_semaphore, #tpu.memory_space<semaphore_mem>>, %arg8: memref<!tpu.dma_semaphore, #tpu.memory_space<semaphore_mem>>, %arg9: memref<!tpu.dma_semaphore, #tpu.memory_space<semaphore_mem>>, %arg10: memref<!tpu.dma_semaphore, #tpu.memory_space<semaphore_mem>>, %arg11: memref<!tpu.dma_semaphore, #tpu.memory_space<semaphore_mem>>) attributes {dimension_semantics = [#tpu.dimension_semantics<core_parallel>, #tpu.dimension_semantics<subcore_parallel>], iteration_bounds = array<i64: 2, 16>, scalar_prefetch = 0 : i64, scratch_operands = 7 : i64, tpu.core_type = #tpu.core_type<sc_vector_subcore>, window_params = [{transform_indices = #map}, {transform_indices = #map1}, {transform_indices = #map}]} {
    %mul3A = arith.constant 2 : i32
    %mul3A_0 = arith.muli %arg1, %mul3A : i32
    %add3A = arith.addi %mul3A_0, %arg0 : i32
    %mul3A_1 = arith.constant 192 : i32
    %mul3A_2 = arith.muli %add3A, %mul3A_1 : i32
    %add3A_3 = arith.constant 0 : i32
    %add3A_4 = arith.addi %mul3A_2, %add3A_3 : i32
    %dma_start3A = arith.constant 0 : i32
    %dma_start3A_5 = arith.constant 0 : i32
    %dma_start3A_6 = tpu.memref_slice %arg5[%dma_start3A, %dma_start3A_5] : memref<2x96xi32, #tpu.memory_space<vmem>> -> memref<1x96xi32, #tpu.memory_space<vmem>>
    %dma_start3A_7 = tpu.memref_squeeze %dma_start3A_6 : memref<1x96xi32, #tpu.memory_space<vmem>> -> memref<96xi32, #tpu.memory_space<vmem>>
    %dma_start3A_8 = tpu.memref_slice %arg3[%add3A_4] : memref<6144xi32, #tpu.memory_space<hbm>> -> memref<96xi32, #tpu.memory_space<hbm>>
    %dma_start3A_9 = arith.constant 0 : i32
    %dma_start3A_10 = tpu.memref_slice %arg5[%dma_start3A, %dma_start3A_9] : memref<2x96xi32, #tpu.memory_space<vmem>> -> memref<1x96xi32, #tpu.memory_space<vmem>>
    %dma_start3A_11 = tpu.memref_squeeze %dma_start3A_10 : memref<1x96xi32, #tpu.memory_space<vmem>> -> memref<96xi32, #tpu.memory_space<vmem>>
    %dma_start3A_12 = tpu.memref_slice %arg3[%add3A_4] : memref<6144xi32, #tpu.memory_space<hbm>> -> memref<96xi32, #tpu.memory_space<hbm>>
    tpu.enqueue_dma source(%dma_start3A_12 : memref<96xi32, #tpu.memory_space<hbm>>) target(%dma_start3A_11 : memref<96xi32, #tpu.memory_space<vmem>>) target_semaphore(%arg7 : memref<!tpu.dma_semaphore, #tpu.memory_space<semaphore_mem>>)
    %add3A_13 = arith.constant 96 : i32
    %add3A_14 = arith.addi %mul3A_2, %add3A_13 : i32
    %dma_start3A_15 = arith.constant 1 : i32
    %dma_start3A_16 = arith.constant 0 : i32
    %dma_start3A_17 = tpu.memref_slice %arg5[%dma_start3A_15, %dma_start3A_16] : memref<2x96xi32, #tpu.memory_space<vmem>> -> memref<1x96xi32, #tpu.memory_space<vmem>>
    %dma_start3A_18 = tpu.memref_squeeze %dma_start3A_17 : memref<1x96xi32, #tpu.memory_space<vmem>> -> memref<96xi32, #tpu.memory_space<vmem>>
    %dma_start3A_19 = tpu.memref_slice %arg3[%add3A_14] : memref<6144xi32, #tpu.memory_space<hbm>> -> memref<96xi32, #tpu.memory_space<hbm>>
    %dma_start3A_20 = arith.constant 0 : i32
    %dma_start3A_21 = tpu.memref_slice %arg5[%dma_start3A_15, %dma_start3A_20] : memref<2x96xi32, #tpu.memory_space<vmem>> -> memref<1x96xi32, #tpu.memory_space<vmem>>
    %dma_start3A_22 = tpu.memref_squeeze %dma_start3A_21 : memref<1x96xi32, #tpu.memory_space<vmem>> -> memref<96xi32, #tpu.memory_space<vmem>>
    %dma_start3A_23 = tpu.memref_slice %arg3[%add3A_14] : memref<6144xi32, #tpu.memory_space<hbm>> -> memref<96xi32, #tpu.memory_space<hbm>>
    tpu.enqueue_dma source(%dma_start3A_23 : memref<96xi32, #tpu.memory_space<hbm>>) target(%dma_start3A_22 : memref<96xi32, #tpu.memory_space<vmem>>) target_semaphore(%arg7 : memref<!tpu.dma_semaphore, #tpu.memory_space<semaphore_mem>>)
    %dma_wait3A = arith.constant 0 : i32
    %dma_wait3A_24 = arith.constant 0 : i32
    %dma_wait3A_25 = tpu.memref_slice %arg5[%dma_wait3A, %dma_wait3A_24] : memref<2x96xi32, #tpu.memory_space<vmem>> -> memref<1x96xi32, #tpu.memory_space<vmem>>
    %dma_wait3A_26 = tpu.memref_squeeze %dma_wait3A_25 : memref<1x96xi32, #tpu.memory_space<vmem>> -> memref<96xi32, #tpu.memory_space<vmem>>
    %dma_wait3A_27 = tpu.memref_slice %arg3[%add3A_4] : memref<6144xi32, #tpu.memory_space<hbm>> -> memref<96xi32, #tpu.memory_space<hbm>>
    %dma_wait3A_28 = arith.constant 0 : i32
    %dma_wait3A_29 = tpu.memref_slice %arg5[%dma_wait3A, %dma_wait3A_28] : memref<2x96xi32, #tpu.memory_space<vmem>> -> memref<1x96xi32, #tpu.memory_space<vmem>>
    %dma_wait3A_30 = tpu.memref_squeeze %dma_wait3A_29 : memref<1x96xi32, #tpu.memory_space<vmem>> -> memref<96xi32, #tpu.memory_space<vmem>>
    %dma_wait3A_31 = tpu.memref_slice %arg3[%add3A_4] : memref<6144xi32, #tpu.memory_space<hbm>> -> memref<96xi32, #tpu.memory_space<hbm>>
    tpu.wait_dma2 semaphore(%arg7 : memref<!tpu.dma_semaphore, #tpu.memory_space<semaphore_mem>>) src(%dma_wait3A_31 : memref<96xi32, #tpu.memory_space<hbm>>) dst(%dma_wait3A_30 : memref<96xi32, #tpu.memory_space<vmem>>)
    %dma_wait3A_32 = arith.constant 1 : i32
    %dma_wait3A_33 = arith.constant 0 : i32
    %dma_wait3A_34 = tpu.memref_slice %arg5[%dma_wait3A_32, %dma_wait3A_33] : memref<2x96xi32, #tpu.memory_space<vmem>> -> memref<1x96xi32, #tpu.memory_space<vmem>>
    %dma_wait3A_35 = tpu.memref_squeeze %dma_wait3A_34 : memref<1x96xi32, #tpu.memory_space<vmem>> -> memref<96xi32, #tpu.memory_space<vmem>>
    %dma_wait3A_36 = tpu.memref_slice %arg3[%add3A_14] : memref<6144xi32, #tpu.memory_space<hbm>> -> memref<96xi32, #tpu.memory_space<hbm>>
    %dma_wait3A_37 = arith.constant 0 : i32
    %dma_wait3A_38 = tpu.memref_slice %arg5[%dma_wait3A_32, %dma_wait3A_37] : memref<2x96xi32, #tpu.memory_space<vmem>> -> memref<1x96xi32, #tpu.memory_space<vmem>>
    %dma_wait3A_39 = tpu.memref_squeeze %dma_wait3A_38 : memref<1x96xi32, #tpu.memory_space<vmem>> -> memref<96xi32, #tpu.memory_space<vmem>>
    %dma_wait3A_40 = tpu.memref_slice %arg3[%add3A_14] : memref<6144xi32, #tpu.memory_space<hbm>> -> memref<96xi32, #tpu.memory_space<hbm>>
    tpu.wait_dma2 semaphore(%arg7 : memref<!tpu.dma_semaphore, #tpu.memory_space<semaphore_mem>>) src(%dma_wait3A_40 : memref<96xi32, #tpu.memory_space<hbm>>) dst(%dma_wait3A_39 : memref<96xi32, #tpu.memory_space<vmem>>)
    %dma_start3A_41 = arith.constant 0 : i32
    %dma_start3A_42 = arith.constant 0 : i32
    %dma_start3A_43 = arith.constant 0 : i32
    %dma_start3A_44 = arith.constant 0 : i32
    %dma_start3A_45 = tpu.memref_slice %arg6[%dma_start3A_42, %dma_start3A_43, %dma_start3A_44] : memref<2x96x256xf32, #tpu.memory_space<vmem>> -> memref<1x96x256xf32, #tpu.memory_space<vmem>>
    %dma_start3A_46 = tpu.memref_squeeze %dma_start3A_45 : memref<1x96x256xf32, #tpu.memory_space<vmem>> -> memref<96x256xf32, #tpu.memory_space<vmem>>
    %dma_start3A_47 = arith.constant 0 : i32
    %dma_start3A_48 = tpu.memref_slice %arg5[%dma_start3A_41, %dma_start3A_47] : memref<2x96xi32, #tpu.memory_space<vmem>> -> memref<1x96xi32, #tpu.memory_space<vmem>>
    %dma_start3A_49 = tpu.memref_squeeze %dma_start3A_48 : memref<1x96xi32, #tpu.memory_space<vmem>> -> memref<96xi32, #tpu.memory_space<vmem>>
    %dma_start3A_50 = arith.constant 0 : i32
    %dma_start3A_51 = arith.constant 0 : i32
    %dma_start3A_52 = tpu.memref_slice %arg2[%dma_start3A_50, %dma_start3A_51] : memref<1024x256xf32, #tpu.memory_space<hbm>> -> memref<1024x256xf32, #tpu.memory_space<hbm>>
    tpu.enqueue_indirect_dma source(%dma_start3A_52 : memref<1024x256xf32, #tpu.memory_space<hbm>>) target(%dma_start3A_46 : memref<96x256xf32, #tpu.memory_space<vmem>>) offsets(%dma_start3A_49 : memref<96xi32, #tpu.memory_space<vmem>>) semaphore(%arg8 : memref<!tpu.dma_semaphore, #tpu.memory_space<semaphore_mem>>)
    %dma_start3A_53 = arith.constant 1 : i32
    %dma_start3A_54 = arith.constant 1 : i32
    %dma_start3A_55 = arith.constant 0 : i32
    %dma_start3A_56 = arith.constant 0 : i32
    %dma_start3A_57 = tpu.memref_slice %arg6[%dma_start3A_54, %dma_start3A_55, %dma_start3A_56] : memref<2x96x256xf32, #tpu.memory_space<vmem>> -> memref<1x96x256xf32, #tpu.memory_space<vmem>>
    %dma_start3A_58 = tpu.memref_squeeze %dma_start3A_57 : memref<1x96x256xf32, #tpu.memory_space<vmem>> -> memref<96x256xf32, #tpu.memory_space<vmem>>
    %dma_start3A_59 = arith.constant 0 : i32
    %dma_start3A_60 = tpu.memref_slice %arg5[%dma_start3A_53, %dma_start3A_59] : memref<2x96xi32, #tpu.memory_space<vmem>> -> memref<1x96xi32, #tpu.memory_space<vmem>>
    %dma_start3A_61 = tpu.memref_squeeze %dma_start3A_60 : memref<1x96xi32, #tpu.memory_space<vmem>> -> memref<96xi32, #tpu.memory_space<vmem>>
    %dma_start3A_62 = arith.constant 0 : i32
    %dma_start3A_63 = arith.constant 0 : i32
    %dma_start3A_64 = tpu.memref_slice %arg2[%dma_start3A_62, %dma_start3A_63] : memref<1024x256xf32, #tpu.memory_space<hbm>> -> memref<1024x256xf32, #tpu.memory_space<hbm>>
    tpu.enqueue_indirect_dma source(%dma_start3A_64 : memref<1024x256xf32, #tpu.memory_space<hbm>>) target(%dma_start3A_58 : memref<96x256xf32, #tpu.memory_space<vmem>>) offsets(%dma_start3A_61 : memref<96xi32, #tpu.memory_space<vmem>>) semaphore(%arg9 : memref<!tpu.dma_semaphore, #tpu.memory_space<semaphore_mem>>)
    %dma_wait3A_65 = arith.constant 0 : i32
    %dma_wait3A_66 = arith.constant 0 : i32
    %dma_wait3A_67 = arith.constant 0 : i32
    %dma_wait3A_68 = arith.constant 0 : i32
    %dma_wait3A_69 = tpu.memref_slice %arg6[%dma_wait3A_66, %dma_wait3A_67, %dma_wait3A_68] : memref<2x96x256xf32, #tpu.memory_space<vmem>> -> memref<1x96x256xf32, #tpu.memory_space<vmem>>
    %dma_wait3A_70 = tpu.memref_squeeze %dma_wait3A_69 : memref<1x96x256xf32, #tpu.memory_space<vmem>> -> memref<96x256xf32, #tpu.memory_space<vmem>>
    %dma_wait3A_71 = arith.constant 0 : i32
    %dma_wait3A_72 = tpu.memref_slice %arg5[%dma_wait3A_65, %dma_wait3A_71] : memref<2x96xi32, #tpu.memory_space<vmem>> -> memref<1x96xi32, #tpu.memory_space<vmem>>
    %dma_wait3A_73 = tpu.memref_squeeze %dma_wait3A_72 : memref<1x96xi32, #tpu.memory_space<vmem>> -> memref<96xi32, #tpu.memory_space<vmem>>
    %dma_wait3A_74 = arith.constant 0 : i32
    %dma_wait3A_75 = arith.constant 0 : i32
    %dma_wait3A_76 = tpu.memref_slice %arg2[%dma_wait3A_74, %dma_wait3A_75] : memref<1024x256xf32, #tpu.memory_space<hbm>> -> memref<1024x256xf32, #tpu.memory_space<hbm>>
    tpu.wait_indirect_dma semaphore(%arg8 : memref<!tpu.dma_semaphore, #tpu.memory_space<semaphore_mem>>) src(%dma_wait3A_76 : memref<1024x256xf32, #tpu.memory_space<hbm>>) dst(%dma_wait3A_70 : memref<96x256xf32, #tpu.memory_space<vmem>>)
    %add3A_77 = arith.constant 0 : i32
    %add3A_78 = arith.addi %mul3A_2, %add3A_77 : i32
    %dma_start3A_79 = arith.constant 0 : i32
    %dma_start3A_80 = arith.constant 0 : i32
    %dma_start3A_81 = arith.constant 0 : i32
    %dma_start3A_82 = tpu.memref_slice %arg6[%dma_start3A_79, %dma_start3A_80, %dma_start3A_81] : memref<2x96x256xf32, #tpu.memory_space<vmem>> -> memref<1x96x256xf32, #tpu.memory_space<vmem>>
    %dma_start3A_83 = tpu.memref_squeeze %dma_start3A_82 : memref<1x96x256xf32, #tpu.memory_space<vmem>> -> memref<96x256xf32, #tpu.memory_space<vmem>>
    %dma_start3A_84 = arith.constant 0 : i32
    %dma_start3A_85 = tpu.memref_slice %arg4[%add3A_78, %dma_start3A_84] : memref<18432x256xf32, #tpu.memory_space<hbm>> -> memref<96x256xf32, #tpu.memory_space<hbm>>
    %dma_start3A_86 = arith.constant 0 : i32
    %dma_start3A_87 = tpu.memref_slice %arg4[%add3A_78, %dma_start3A_86] : memref<18432x256xf32, #tpu.memory_space<hbm>> -> memref<96x256xf32, #tpu.memory_space<hbm>>
    %dma_start3A_88 = arith.constant 0 : i32
    %dma_start3A_89 = arith.constant 0 : i32
    %dma_start3A_90 = tpu.memref_slice %arg6[%dma_start3A_79, %dma_start3A_88, %dma_start3A_89] : memref<2x96x256xf32, #tpu.memory_space<vmem>> -> memref<1x96x256xf32, #tpu.memory_space<vmem>>
    %dma_start3A_91 = tpu.memref_squeeze %dma_start3A_90 : memref<1x96x256xf32, #tpu.memory_space<vmem>> -> memref<96x256xf32, #tpu.memory_space<vmem>>
    tpu.enqueue_dma source(%dma_start3A_91 : memref<96x256xf32, #tpu.memory_space<vmem>>) target(%dma_start3A_87 : memref<96x256xf32, #tpu.memory_space<hbm>>) target_semaphore(%arg10 : memref<!tpu.dma_semaphore, #tpu.memory_space<semaphore_mem>>)
    %dma_wait3A_92 = arith.constant 1 : i32
    %dma_wait3A_93 = arith.constant 1 : i32
    %dma_wait3A_94 = arith.constant 0 : i32
    %dma_wait3A_95 = arith.constant 0 : i32
    %dma_wait3A_96 = tpu.memref_slice %arg6[%dma_wait3A_93, %dma_wait3A_94, %dma_wait3A_95] : memref<2x96x256xf32, #tpu.memory_space<vmem>> -> memref<1x96x256xf32, #tpu.memory_space<vmem>>
    %dma_wait3A_97 = tpu.memref_squeeze %dma_wait3A_96 : memref<1x96x256xf32, #tpu.memory_space<vmem>> -> memref<96x256xf32, #tpu.memory_space<vmem>>
    %dma_wait3A_98 = arith.constant 0 : i32
    %dma_wait3A_99 = tpu.memref_slice %arg5[%dma_wait3A_92, %dma_wait3A_98] : memref<2x96xi32, #tpu.memory_space<vmem>> -> memref<1x96xi32, #tpu.memory_space<vmem>>
    %dma_wait3A_100 = tpu.memref_squeeze %dma_wait3A_99 : memref<1x96xi32, #tpu.memory_space<vmem>> -> memref<96xi32, #tpu.memory_space<vmem>>
    %dma_wait3A_101 = arith.constant 0 : i32
    %dma_wait3A_102 = arith.constant 0 : i32
    %dma_wait3A_103 = tpu.memref_slice %arg2[%dma_wait3A_101, %dma_wait3A_102] : memref<1024x256xf32, #tpu.memory_space<hbm>> -> memref<1024x256xf32, #tpu.memory_space<hbm>>
    tpu.wait_indirect_dma semaphore(%arg9 : memref<!tpu.dma_semaphore, #tpu.memory_space<semaphore_mem>>) src(%dma_wait3A_103 : memref<1024x256xf32, #tpu.memory_space<hbm>>) dst(%dma_wait3A_97 : memref<96x256xf32, #tpu.memory_space<vmem>>)
    %add3A_104 = arith.constant 96 : i32
    %add3A_105 = arith.addi %mul3A_2, %add3A_104 : i32
    %dma_start3A_106 = arith.constant 1 : i32
    %dma_start3A_107 = arith.constant 0 : i32
    %dma_start3A_108 = arith.constant 0 : i32
    %dma_start3A_109 = tpu.memref_slice %arg6[%dma_start3A_106, %dma_start3A_107, %dma_start3A_108] : memref<2x96x256xf32, #tpu.memory_space<vmem>> -> memref<1x96x256xf32, #tpu.memory_space<vmem>>
    %dma_start3A_110 = tpu.memref_squeeze %dma_start3A_109 : memref<1x96x256xf32, #tpu.memory_space<vmem>> -> memref<96x256xf32, #tpu.memory_space<vmem>>
    %dma_start3A_111 = arith.constant 0 : i32
    %dma_start3A_112 = tpu.memref_slice %arg4[%add3A_105, %dma_start3A_111] : memref<18432x256xf32, #tpu.memory_space<hbm>> -> memref<96x256xf32, #tpu.memory_space<hbm>>
    %dma_start3A_113 = arith.constant 0 : i32
    %dma_start3A_114 = tpu.memref_slice %arg4[%add3A_105, %dma_start3A_113] : memref<18432x256xf32, #tpu.memory_space<hbm>> -> memref<96x256xf32, #tpu.memory_space<hbm>>
    %dma_start3A_115 = arith.constant 0 : i32
    %dma_start3A_116 = arith.constant 0 : i32
    %dma_start3A_117 = tpu.memref_slice %arg6[%dma_start3A_106, %dma_start3A_115, %dma_start3A_116] : memref<2x96x256xf32, #tpu.memory_space<vmem>> -> memref<1x96x256xf32, #tpu.memory_space<vmem>>
    %dma_start3A_118 = tpu.memref_squeeze %dma_start3A_117 : memref<1x96x256xf32, #tpu.memory_space<vmem>> -> memref<96x256xf32, #tpu.memory_space<vmem>>
    tpu.enqueue_dma source(%dma_start3A_118 : memref<96x256xf32, #tpu.memory_space<vmem>>) target(%dma_start3A_114 : memref<96x256xf32, #tpu.memory_space<hbm>>) target_semaphore(%arg11 : memref<!tpu.dma_semaphore, #tpu.memory_space<semaphore_mem>>)
    %dma_wait3A_119 = arith.constant 0 : i32
    %dma_wait3A_120 = arith.constant 0 : i32
    %dma_wait3A_121 = arith.constant 0 : i32
    %dma_wait3A_122 = tpu.memref_slice %arg6[%dma_wait3A_119, %dma_wait3A_120, %dma_wait3A_121] : memref<2x96x256xf32, #tpu.memory_space<vmem>> -> memref<1x96x256xf32, #tpu.memory_space<vmem>>
    %dma_wait3A_123 = tpu.memref_squeeze %dma_wait3A_122 : memref<1x96x256xf32, #tpu.memory_space<vmem>> -> memref<96x256xf32, #tpu.memory_space<vmem>>
    %dma_wait3A_124 = arith.constant 0 : i32
    %dma_wait3A_125 = tpu.memref_slice %arg4[%add3A_78, %dma_wait3A_124] : memref<18432x256xf32, #tpu.memory_space<hbm>> -> memref<96x256xf32, #tpu.memory_space<hbm>>
    %dma_wait3A_126 = arith.constant 0 : i32
    %dma_wait3A_127 = tpu.memref_slice %arg4[%add3A_78, %dma_wait3A_126] : memref<18432x256xf32, #tpu.memory_space<hbm>> -> memref<96x256xf32, #tpu.memory_space<hbm>>
    %dma_wait3A_128 = arith.constant 0 : i32
    %dma_wait3A_129 = arith.constant 0 : i32
    %dma_wait3A_130 = tpu.memref_slice %arg6[%dma_wait3A_119, %dma_wait3A_128, %dma_wait3A_129] : memref<2x96x256xf32, #tpu.memory_space<vmem>> -> memref<1x96x256xf32, #tpu.memory_space<vmem>>
    %dma_wait3A_131 = tpu.memref_squeeze %dma_wait3A_130 : memref<1x96x256xf32, #tpu.memory_space<vmem>> -> memref<96x256xf32, #tpu.memory_space<vmem>>
    tpu.wait_dma2 semaphore(%arg10 : memref<!tpu.dma_semaphore, #tpu.memory_space<semaphore_mem>>) src(%dma_wait3A_131 : memref<96x256xf32, #tpu.memory_space<vmem>>) dst(%dma_wait3A_127 : memref<96x256xf32, #tpu.memory_space<hbm>>)
    %dma_wait3A_132 = arith.constant 1 : i32
    %dma_wait3A_133 = arith.constant 0 : i32
    %dma_wait3A_134 = arith.constant 0 : i32
    %dma_wait3A_135 = tpu.memref_slice %arg6[%dma_wait3A_132, %dma_wait3A_133, %dma_wait3A_134] : memref<2x96x256xf32, #tpu.memory_space<vmem>> -> memref<1x96x256xf32, #tpu.memory_space<vmem>>
    %dma_wait3A_136 = tpu.memref_squeeze %dma_wait3A_135 : memref<1x96x256xf32, #tpu.memory_space<vmem>> -> memref<96x256xf32, #tpu.memory_space<vmem>>
    %dma_wait3A_137 = arith.constant 0 : i32
    %dma_wait3A_138 = tpu.memref_slice %arg4[%add3A_105, %dma_wait3A_137] : memref<18432x256xf32, #tpu.memory_space<hbm>> -> memref<96x256xf32, #tpu.memory_space<hbm>>
    %dma_wait3A_139 = arith.constant 0 : i32
    %dma_wait3A_140 = tpu.memref_slice %arg4[%add3A_105, %dma_wait3A_139] : memref<18432x256xf32, #tpu.memory_space<hbm>> -> memref<96x256xf32, #tpu.memory_space<hbm>>
    %dma_wait3A_141 = arith.constant 0 : i32
    %dma_wait3A_142 = arith.constant 0 : i32
    %dma_wait3A_143 = tpu.memref_slice %arg6[%dma_wait3A_132, %dma_wait3A_141, %dma_wait3A_142] : memref<2x96x256xf32, #tpu.memory_space<vmem>> -> memref<1x96x256xf32, #tpu.memory_space<vmem>>
    %dma_wait3A_144 = tpu.memref_squeeze %dma_wait3A_143 : memref<1x96x256xf32, #tpu.memory_space<vmem>> -> memref<96x256xf32, #tpu.memory_space<vmem>>
    tpu.wait_dma2 semaphore(%arg11 : memref<!tpu.dma_semaphore, #tpu.memory_space<semaphore_mem>>) src(%dma_wait3A_144 : memref<96x256xf32, #tpu.memory_space<vmem>>) dst(%dma_wait3A_140 : memref<96x256xf32, #tpu.memory_space<hbm>>)
    return
  }
}

module attributes {stable_mosaic.version = 14 : i64} {
  func.func @_dist_argmin_kernel(%arg0: i32, %arg1: memref<1536x256xf32, #tpu.memory_space<vmem>>, %arg2: memref<1024x256xf32, #tpu.memory_space<vmem>>, %arg3: memref<1x1x1536xi32, #tpu.memory_space<vmem>>, %arg4: memref<1x1024xf32, #tpu.memory_space<vmem>>) attributes {dimension_semantics = [#tpu.dimension_semantics<arbitrary>], iteration_bounds = array<i64: 4>, scalar_prefetch = 0 : i64, scratch_operands = 1 : i64, tpu.core_type = #tpu.core_type<tc>, window_params = [{transform_indices = @transform_0, window_bounds = array<i64: 1536, 256>}, {pipeline_mode = #tpu.pipeline_mode<synchronous>, transform_indices = @transform_1, window_bounds = array<i64: 1024, 256>}, {transform_indices = @transform_2, window_bounds = array<i64: 1, 1, 1536>}]} {
    %get3A = arith.constant 0 : index
    %get3A_0 = arith.constant 0 : index
    %get3A_1 = vector.load %arg2[%get3A, %get3A_0] : memref<1024x256xf32, #tpu.memory_space<vmem>>, vector<1024x256xf32>
    %eq3A = arith.constant 0 : i32
    %eq3A_2 = arith.cmpi eq, %arg0, %eq3A : i32
    %convert_element_type3A = arith.extui %eq3A_2 : i1 to i32
    %cond3A = arith.constant 0 : i32
    %cond3A_3 = arith.cmpi ne, %convert_element_type3A, %cond3A : i32
    scf.if %cond3A_3 {
      %mul3A_22 = arith.mulf %get3A_1, %get3A_1 : vector<1024x256xf32>
      %reduce_sum3A_23 = arith.constant dense<0.000000e+00> : vector<1024xf32>
      %reduce_sum3A_24 = vector.multi_reduction <add>, %mul3A_22, %reduce_sum3A_23 [1] : vector<1024x256xf32> to vector<1024xf32>
      %broadcast_in_dim3A_25 = vector.shape_cast %reduce_sum3A_24 : vector<1024xf32> to vector<1x1024xf32>
      %swap3A_26 = arith.constant 0 : index
      %swap3A_27 = arith.constant 0 : index
      %swap3A_28 = vector.load %arg4[%swap3A_26, %swap3A_27] : memref<1x1024xf32, #tpu.memory_space<vmem>>, vector<1x1024xf32>
      tpu.vector_store %arg4[%swap3A_26, %swap3A_27], %broadcast_in_dim3A_25 {strides = array<i32>} : memref<1x1024xf32, #tpu.memory_space<vmem>>, vector<1x1024xf32>,
    } else {
    }
    %get3A_4 = arith.constant 0 : index
    %get3A_5 = arith.constant 0 : index
    %get3A_6 = vector.load %arg1[%get3A_4, %get3A_5] : memref<1536x256xf32, #tpu.memory_space<vmem>>, vector<1536x256xf32>
    %mul3A = arith.mulf %get3A_6, %get3A_6 : vector<1536x256xf32>
    %reduce_sum3A = arith.constant dense<0.000000e+00> : vector<1536xf32>
    %reduce_sum3A_7 = vector.multi_reduction <add>, %mul3A, %reduce_sum3A [1] : vector<1536x256xf32> to vector<1536xf32>
    %broadcast_in_dim3A = vector.shape_cast %reduce_sum3A_7 : vector<1536xf32> to vector<1536x1xf32>
    %get3A_8 = arith.constant 0 : index
    %get3A_9 = arith.constant 0 : index
    %get3A_10 = vector.load %arg4[%get3A_8, %get3A_9] : memref<1x1024xf32, #tpu.memory_space<vmem>>, vector<1x1024xf32>
    %dot_general3A = arith.constant dense<0.000000e+00> : vector<1536x1024xf32>
    %dot_general3A_11 = tpu.matmul %get3A_6, %get3A_1, %dot_general3A {dimension_numbers = #tpu.dot_dimension_numbers<[1], [1], [0], [0], [0, 0, 1, 0], [], []>, transpose_lhs_hint = false} : vector<1536x256xf32>, vector<1024x256xf32>, vector<1536x1024xf32> -> vector<1536x1024xf32>
    %add3A = vector.broadcast %broadcast_in_dim3A : vector<1536x1xf32> to vector<1536x1024xf32>
    %add3A_12 = vector.broadcast %get3A_10 : vector<1x1024xf32> to vector<1536x1024xf32>
    %add3A_13 = arith.addf %add3A, %add3A_12 : vector<1536x1024xf32>
    %mul3A_14 = arith.constant 2.000000e+00 : f32
    %mul3A_15 = vector.broadcast %mul3A_14 : f32 to vector<1536x1024xf32>
    %mul3A_16 = arith.mulf %mul3A_15, %dot_general3A_11 : vector<1536x1024xf32>
    %sub3A = arith.subf %add3A_13, %mul3A_16 : vector<1536x1024xf32>
    %argmin3A = tpu.reduce_index %sub3A {axis = 1 : i32, kind = #tpu.reduction_kind<arg_min>} : vector<1536x1024xf32> -> vector<1536xi32>
    %swap3A = arith.constant 0 : index
    %swap3A_17 = arith.constant 0 : index
    %swap3A_18 = arith.constant 0 : index
    %swap3A_19 = vector.load %arg3[%swap3A, %swap3A_17, %swap3A_18] : memref<1x1x1536xi32, #tpu.memory_space<vmem>>, vector<1x1x1536xi32>
    %swap3A_20 = vector.shape_cast %swap3A_19 : vector<1x1x1536xi32> to vector<1536xi32>
    %swap3A_21 = vector.shape_cast %argmin3A : vector<1536xi32> to vector<1x1x1536xi32>
    tpu.vector_store %arg3[%swap3A, %swap3A_17, %swap3A_18], %swap3A_21 {strides = array<i32>} : memref<1x1x1536xi32, #tpu.memory_space<vmem>>, vector<1x1x1536xi32>,
    return
  }
  func.func @transform_0(%arg0: i32) -> (i32, i32) {
    %add3A = arith.constant 0 : i32
    %add3A_0 = arith.addi %add3A, %arg0 : i32
    %c0_i32 = arith.constant 0 : i32
    %c0_i32_1 = arith.constant 0 : i32
    return %add3A_0, %c0_i32 : i32, i32
  }
  func.func @transform_1(%arg0: i32) -> (i32, i32) {
    %c0_i32 = arith.constant 0 : i32
    %c0_i32_0 = arith.constant 0 : i32
    %c0_i32_1 = arith.constant 0 : i32
    return %c0_i32, %c0_i32_0 : i32, i32
  }
  func.func @transform_2(%arg0: i32) -> (i32, i32, i32) {
    %c0_i32 = arith.constant 0 : i32
    %c0_i32_0 = arith.constant 0 : i32
    %c0_i32_1 = arith.constant 0 : i32
    return %arg0, %c0_i32, %c0_i32_0 : i32, i32, i32
  }
}

module attributes {stable_mosaic.version = 14 : i64} {
  func.func @_dist_argmin_quant_kernel(%arg0: i32, %arg1: memref<1536x256xf32, #tpu.memory_space<vmem>>, %arg2: memref<1024x256xf32, #tpu.memory_space<vmem>>, %arg3: memref<18432x256xf32, #tpu.memory_space<any>>, %arg4: memref<1x1x1536xi32, #tpu.memory_space<vmem>>, %arg5: memref<1536x256xf32, #tpu.memory_space<vmem>>, %arg6: memref<1x1024xf32, #tpu.memory_space<vmem>>, %arg7: memref<1024x256xbf16, #tpu.memory_space<vmem>>, %arg8: memref<1024x256xbf16, #tpu.memory_space<vmem>>) attributes {dimension_semantics = [#tpu.dimension_semantics<arbitrary>], iteration_bounds = array<i64: 4>, scalar_prefetch = 0 : i64, scratch_operands = 3 : i64, tpu.core_type = #tpu.core_type<tc>, window_params = [{transform_indices = @transform_0, window_bounds = array<i64: 1536, 256>}, {pipeline_mode = #tpu.pipeline_mode<synchronous>, transform_indices = @transform_1, window_bounds = array<i64: 1024, 256>}, {}, {transform_indices = @transform_3, window_bounds = array<i64: 1, 1, 1536>}, {transform_indices = @transform_4, window_bounds = array<i64: 1536, 256>}]} {
    %get3A = arith.constant 0 : index
    %get3A_0 = arith.constant 0 : index
    %get3A_1 = vector.load %arg2[%get3A, %get3A_0] : memref<1024x256xf32, #tpu.memory_space<vmem>>, vector<1024x256xf32>
    %eq3A = arith.constant 0 : i32
    %eq3A_2 = arith.cmpi eq, %arg0, %eq3A : i32
    %convert_element_type3A = arith.extui %eq3A_2 : i1 to i32
    %cond3A = arith.constant 0 : i32
    %cond3A_3 = arith.cmpi ne, %convert_element_type3A, %cond3A : i32
    scf.if %cond3A_3 {
      %mul3A_42 = arith.mulf %get3A_1, %get3A_1 : vector<1024x256xf32>
      %reduce_sum3A_43 = arith.constant dense<0.000000e+00> : vector<1024xf32>
      %reduce_sum3A_44 = vector.multi_reduction <add>, %mul3A_42, %reduce_sum3A_43 [1] : vector<1024x256xf32> to vector<1024xf32>
      %broadcast_in_dim3A_45 = vector.shape_cast %reduce_sum3A_44 : vector<1024xf32> to vector<1x1024xf32>
      %swap3A_46 = arith.constant 0 : index
      %swap3A_47 = arith.constant 0 : index
      %swap3A_48 = vector.load %arg6[%swap3A_46, %swap3A_47] : memref<1x1024xf32, #tpu.memory_space<vmem>>, vector<1x1024xf32>
      tpu.vector_store %arg6[%swap3A_46, %swap3A_47], %broadcast_in_dim3A_45 {strides = array<i32>} : memref<1x1024xf32, #tpu.memory_space<vmem>>, vector<1x1024xf32>,
      %convert_element_type3A_49 = arith.truncf %get3A_1 : vector<1024x256xf32> to vector<1024x256xbf16>
      %swap3A_50 = arith.constant 0 : index
      %swap3A_51 = arith.constant 0 : index
      %swap3A_52 = vector.load %arg7[%swap3A_50, %swap3A_51] : memref<1024x256xbf16, #tpu.memory_space<vmem>>, vector<1024x256xbf16>
      tpu.vector_store %arg7[%swap3A_50, %swap3A_51], %convert_element_type3A_49 {strides = array<i32>} : memref<1024x256xbf16, #tpu.memory_space<vmem>>, vector<1024x256xbf16>,
      %convert_element_type3A_53 = arith.extf %convert_element_type3A_49 : vector<1024x256xbf16> to vector<1024x256xf32>
      %sub3A_54 = arith.subf %get3A_1, %convert_element_type3A_53 : vector<1024x256xf32>
      %convert_element_type3A_55 = arith.truncf %sub3A_54 : vector<1024x256xf32> to vector<1024x256xbf16>
      %swap3A_56 = arith.constant 0 : index
      %swap3A_57 = arith.constant 0 : index
      %swap3A_58 = vector.load %arg8[%swap3A_56, %swap3A_57] : memref<1024x256xbf16, #tpu.memory_space<vmem>>, vector<1024x256xbf16>
      tpu.vector_store %arg8[%swap3A_56, %swap3A_57], %convert_element_type3A_55 {strides = array<i32>} : memref<1024x256xbf16, #tpu.memory_space<vmem>>, vector<1024x256xbf16>,
    } else {
    }
    %get3A_4 = arith.constant 0 : index
    %get3A_5 = arith.constant 0 : index
    %get3A_6 = vector.load %arg1[%get3A_4, %get3A_5] : memref<1536x256xf32, #tpu.memory_space<vmem>>, vector<1536x256xf32>
    %mul3A = arith.mulf %get3A_6, %get3A_6 : vector<1536x256xf32>
    %reduce_sum3A = arith.constant dense<0.000000e+00> : vector<1536xf32>
    %reduce_sum3A_7 = vector.multi_reduction <add>, %mul3A, %reduce_sum3A [1] : vector<1536x256xf32> to vector<1536xf32>
    %broadcast_in_dim3A = vector.shape_cast %reduce_sum3A_7 : vector<1536xf32> to vector<1536x1xf32>
    %get3A_8 = arith.constant 0 : index
    %get3A_9 = arith.constant 0 : index
    %get3A_10 = vector.load %arg6[%get3A_8, %get3A_9] : memref<1x1024xf32, #tpu.memory_space<vmem>>, vector<1x1024xf32>
    %dot_general3A = arith.constant dense<0.000000e+00> : vector<1536x1024xf32>
    %dot_general3A_11 = tpu.matmul %get3A_6, %get3A_1, %dot_general3A {dimension_numbers = #tpu.dot_dimension_numbers<[1], [1], [0], [0], [0, 0, 1, 0], [], []>, transpose_lhs_hint = false} : vector<1536x256xf32>, vector<1024x256xf32>, vector<1536x1024xf32> -> vector<1536x1024xf32>
    %add3A = vector.broadcast %broadcast_in_dim3A : vector<1536x1xf32> to vector<1536x1024xf32>
    %add3A_12 = vector.broadcast %get3A_10 : vector<1x1024xf32> to vector<1536x1024xf32>
    %add3A_13 = arith.addf %add3A, %add3A_12 : vector<1536x1024xf32>
    %mul3A_14 = arith.constant 2.000000e+00 : f32
    %mul3A_15 = vector.broadcast %mul3A_14 : f32 to vector<1536x1024xf32>
    %mul3A_16 = arith.mulf %mul3A_15, %dot_general3A_11 : vector<1536x1024xf32>
    %sub3A = arith.subf %add3A_13, %mul3A_16 : vector<1536x1024xf32>
    %argmin3A = tpu.reduce_index %sub3A {axis = 1 : i32, kind = #tpu.reduction_kind<arg_min>} : vector<1536x1024xf32> -> vector<1536xi32>
    %swap3A = arith.constant 0 : index
    %swap3A_17 = arith.constant 0 : index
    %swap3A_18 = arith.constant 0 : index
    %swap3A_19 = vector.load %arg4[%swap3A, %swap3A_17, %swap3A_18] : memref<1x1x1536xi32, #tpu.memory_space<vmem>>, vector<1x1x1536xi32>
    %swap3A_20 = vector.shape_cast %swap3A_19 : vector<1x1x1536xi32> to vector<1536xi32>
    %swap3A_21 = vector.shape_cast %argmin3A : vector<1536xi32> to vector<1x1x1536xi32>
    tpu.vector_store %arg4[%swap3A, %swap3A_17, %swap3A_18], %swap3A_21 {strides = array<i32>} : memref<1x1x1536xi32, #tpu.memory_space<vmem>>, vector<1x1x1536xi32>,
    %iota3A = tpu.iota {dimensions = array<i32: 1>} : vector<1536x1024xi32>
    %broadcast_in_dim3A_22 = vector.shape_cast %argmin3A : vector<1536xi32> to vector<1536x1xi32>
    %eq3A_23 = vector.broadcast %broadcast_in_dim3A_22 : vector<1536x1xi32> to vector<1536x1024xi32>
    %eq3A_24 = arith.cmpi eq, %iota3A, %eq3A_23 : vector<1536x1024xi32>
    %convert_element_type3A_25 = arith.extui %eq3A_24 : vector<1536x1024xi1> to vector<1536x1024xi32>
    %convert_element_type3A_26 = arith.sitofp %convert_element_type3A_25 : vector<1536x1024xi32> to vector<1536x1024xf32>
    %convert_element_type3A_27 = arith.truncf %convert_element_type3A_26 : vector<1536x1024xf32> to vector<1536x1024xbf16>
    %get3A_28 = arith.constant 0 : index
    %get3A_29 = arith.constant 0 : index
    %get3A_30 = vector.load %arg7[%get3A_28, %get3A_29] : memref<1024x256xbf16, #tpu.memory_space<vmem>>, vector<1024x256xbf16>
    %dot_general3A_31 = arith.constant dense<0.000000e+00> : vector<1536x256xf32>
    %dot_general3A_32 = tpu.matmul %convert_element_type3A_27, %get3A_30, %dot_general3A_31 {dimension_numbers = #tpu.dot_dimension_numbers<[1], [0], [0], [1], [0, 0, 1, 1], [], []>, transpose_lhs_hint = false} : vector<1536x1024xbf16>, vector<1024x256xbf16>, vector<1536x256xf32> -> vector<1536x256xf32>
    %get3A_33 = arith.constant 0 : index
    %get3A_34 = arith.constant 0 : index
    %get3A_35 = vector.load %arg8[%get3A_33, %get3A_34] : memref<1024x256xbf16, #tpu.memory_space<vmem>>, vector<1024x256xbf16>
    %dot_general3A_36 = arith.constant dense<0.000000e+00> : vector<1536x256xf32>
    %dot_general3A_37 = tpu.matmul %convert_element_type3A_27, %get3A_35, %dot_general3A_36 {dimension_numbers = #tpu.dot_dimension_numbers<[1], [0], [0], [1], [0, 0, 1, 1], [], []>, transpose_lhs_hint = false} : vector<1536x1024xbf16>, vector<1024x256xbf16>, vector<1536x256xf32> -> vector<1536x256xf32>
    %add3A_38 = arith.addf %dot_general3A_32, %dot_general3A_37 : vector<1536x256xf32>
    %swap3A_39 = arith.constant 0 : index
    %swap3A_40 = arith.constant 0 : index
    %swap3A_41 = vector.load %arg5[%swap3A_39, %swap3A_40] : memref<1536x256xf32, #tpu.memory_space<vmem>>, vector<1536x256xf32>
    tpu.vector_store %arg5[%swap3A_39, %swap3A_40], %add3A_38 {strides = array<i32>} : memref<1536x256xf32, #tpu.memory_space<vmem>>, vector<1536x256xf32>,
    return
  }
  func.func @transform_0(%arg0: i32) -> (i32, i32) {
    %add3A = arith.constant 8 : i32
    %add3A_0 = arith.addi %add3A, %arg0 : i32
    %c0_i32 = arith.constant 0 : i32
    %c0_i32_1 = arith.constant 0 : i32
    return %add3A_0, %c0_i32 : i32, i32
  }
  func.func @transform_1(%arg0: i32) -> (i32, i32) {
    %c0_i32 = arith.constant 0 : i32
    %c0_i32_0 = arith.constant 0 : i32
    %c0_i32_1 = arith.constant 0 : i32
    return %c0_i32, %c0_i32_0 : i32, i32
  }
  func.func @transform_3(%arg0: i32) -> (i32, i32, i32) {
    %c0_i32 = arith.constant 0 : i32
    %c0_i32_0 = arith.constant 0 : i32
    %c0_i32_1 = arith.constant 0 : i32
    return %arg0, %c0_i32, %c0_i32_0 : i32, i32, i32
  }
  func.func @transform_4(%arg0: i32) -> (i32, i32) {
    %add3A = arith.constant 8 : i32
    %add3A_0 = arith.addi %add3A, %arg0 : i32
    %c0_i32 = arith.constant 0 : i32
    %c0_i32_1 = arith.constant 0 : i32
    return %add3A_0, %c0_i32 : i32, i32
  }
}

module attributes {stable_mosaic.version = 14 : i64} {
  func.func @_dist_argmin_kernel(%arg0: i32, %arg1: memref<1536x256xf32, #tpu.memory_space<vmem>>, %arg2: memref<1024x256xf32, #tpu.memory_space<vmem>>, %arg3: memref<1x1x1536xi32, #tpu.memory_space<vmem>>, %arg4: memref<1x1024xf32, #tpu.memory_space<vmem>>) attributes {dimension_semantics = [#tpu.dimension_semantics<arbitrary>], iteration_bounds = array<i64: 4>, scalar_prefetch = 0 : i64, scratch_operands = 1 : i64, tpu.core_type = #tpu.core_type<tc>, window_params = [{transform_indices = @transform_0, window_bounds = array<i64: 1536, 256>}, {pipeline_mode = #tpu.pipeline_mode<synchronous>, transform_indices = @transform_1, window_bounds = array<i64: 1024, 256>}, {transform_indices = @transform_2, window_bounds = array<i64: 1, 1, 1536>}]} {
    %get3A = arith.constant 0 : index
    %get3A_0 = arith.constant 0 : index
    %get3A_1 = vector.load %arg2[%get3A, %get3A_0] : memref<1024x256xf32, #tpu.memory_space<vmem>>, vector<1024x256xf32>
    %eq3A = arith.constant 0 : i32
    %eq3A_2 = arith.cmpi eq, %arg0, %eq3A : i32
    %convert_element_type3A = arith.extui %eq3A_2 : i1 to i32
    %cond3A = arith.constant 0 : i32
    %cond3A_3 = arith.cmpi ne, %convert_element_type3A, %cond3A : i32
    scf.if %cond3A_3 {
      %mul3A_22 = arith.mulf %get3A_1, %get3A_1 : vector<1024x256xf32>
      %reduce_sum3A_23 = arith.constant dense<0.000000e+00> : vector<1024xf32>
      %reduce_sum3A_24 = vector.multi_reduction <add>, %mul3A_22, %reduce_sum3A_23 [1] : vector<1024x256xf32> to vector<1024xf32>
      %broadcast_in_dim3A_25 = vector.shape_cast %reduce_sum3A_24 : vector<1024xf32> to vector<1x1024xf32>
      %swap3A_26 = arith.constant 0 : index
      %swap3A_27 = arith.constant 0 : index
      %swap3A_28 = vector.load %arg4[%swap3A_26, %swap3A_27] : memref<1x1024xf32, #tpu.memory_space<vmem>>, vector<1x1024xf32>
      tpu.vector_store %arg4[%swap3A_26, %swap3A_27], %broadcast_in_dim3A_25 {strides = array<i32>} : memref<1x1024xf32, #tpu.memory_space<vmem>>, vector<1x1024xf32>,
    } else {
    }
    %get3A_4 = arith.constant 0 : index
    %get3A_5 = arith.constant 0 : index
    %get3A_6 = vector.load %arg1[%get3A_4, %get3A_5] : memref<1536x256xf32, #tpu.memory_space<vmem>>, vector<1536x256xf32>
    %mul3A = arith.mulf %get3A_6, %get3A_6 : vector<1536x256xf32>
    %reduce_sum3A = arith.constant dense<0.000000e+00> : vector<1536xf32>
    %reduce_sum3A_7 = vector.multi_reduction <add>, %mul3A, %reduce_sum3A [1] : vector<1536x256xf32> to vector<1536xf32>
    %broadcast_in_dim3A = vector.shape_cast %reduce_sum3A_7 : vector<1536xf32> to vector<1536x1xf32>
    %get3A_8 = arith.constant 0 : index
    %get3A_9 = arith.constant 0 : index
    %get3A_10 = vector.load %arg4[%get3A_8, %get3A_9] : memref<1x1024xf32, #tpu.memory_space<vmem>>, vector<1x1024xf32>
    %dot_general3A = arith.constant dense<0.000000e+00> : vector<1536x1024xf32>
    %dot_general3A_11 = tpu.matmul %get3A_6, %get3A_1, %dot_general3A {dimension_numbers = #tpu.dot_dimension_numbers<[1], [1], [0], [0], [0, 0, 1, 0], [], []>, transpose_lhs_hint = false} : vector<1536x256xf32>, vector<1024x256xf32>, vector<1536x1024xf32> -> vector<1536x1024xf32>
    %add3A = vector.broadcast %broadcast_in_dim3A : vector<1536x1xf32> to vector<1536x1024xf32>
    %add3A_12 = vector.broadcast %get3A_10 : vector<1x1024xf32> to vector<1536x1024xf32>
    %add3A_13 = arith.addf %add3A, %add3A_12 : vector<1536x1024xf32>
    %mul3A_14 = arith.constant 2.000000e+00 : f32
    %mul3A_15 = vector.broadcast %mul3A_14 : f32 to vector<1536x1024xf32>
    %mul3A_16 = arith.mulf %mul3A_15, %dot_general3A_11 : vector<1536x1024xf32>
    %sub3A = arith.subf %add3A_13, %mul3A_16 : vector<1536x1024xf32>
    %argmin3A = tpu.reduce_index %sub3A {axis = 1 : i32, kind = #tpu.reduction_kind<arg_min>} : vector<1536x1024xf32> -> vector<1536xi32>
    %swap3A = arith.constant 0 : index
    %swap3A_17 = arith.constant 0 : index
    %swap3A_18 = arith.constant 0 : index
    %swap3A_19 = vector.load %arg3[%swap3A, %swap3A_17, %swap3A_18] : memref<1x1x1536xi32, #tpu.memory_space<vmem>>, vector<1x1x1536xi32>
    %swap3A_20 = vector.shape_cast %swap3A_19 : vector<1x1x1536xi32> to vector<1536xi32>
    %swap3A_21 = vector.shape_cast %argmin3A : vector<1536xi32> to vector<1x1x1536xi32>
    tpu.vector_store %arg3[%swap3A, %swap3A_17, %swap3A_18], %swap3A_21 {strides = array<i32>} : memref<1x1x1536xi32, #tpu.memory_space<vmem>>, vector<1x1x1536xi32>,
    return
  }
  func.func @transform_0(%arg0: i32) -> (i32, i32) {
    %add3A = arith.constant 4 : i32
    %add3A_0 = arith.addi %add3A, %arg0 : i32
    %c0_i32 = arith.constant 0 : i32
    %c0_i32_1 = arith.constant 0 : i32
    return %add3A_0, %c0_i32 : i32, i32
  }
  func.func @transform_1(%arg0: i32) -> (i32, i32) {
    %c0_i32 = arith.constant 0 : i32
    %c0_i32_0 = arith.constant 0 : i32
    %c0_i32_1 = arith.constant 0 : i32
    return %c0_i32, %c0_i32_0 : i32, i32
  }
  func.func @transform_2(%arg0: i32) -> (i32, i32, i32) {
    %c0_i32 = arith.constant 0 : i32
    %c0_i32_0 = arith.constant 0 : i32
    %c0_i32_1 = arith.constant 0 : i32
    return %arg0, %c0_i32, %c0_i32_0 : i32, i32, i32
  }
}

</mosaic_0001>

<sc_bundles>
// kernel: kernel.10.cloned.1.call-start
scs
__scs_entry_jumppad:
0x0: {  	(pc) =	sbr.rel $0x88, $3  }
0x1: {  	(tag) =	ssettag $0x0;
	lr =	simm.s32 $0x1  }
0x2: {  	[smem:$0x3F9F] =	sst lr;
	_ =	strace $0xD0000000  }
0x3: {  	_ = 	snop  }
0x4: {  	_ = 	snop  }
0x5: {  	_ = 	snop  }
0x6: {  	_ = 	snop  }
0x7: {  	_ = 	snop  }
__scs_overlays_trampoline_lowered:
0x8: {  	[smem:$0x3FAE] =	sst s0  }
0x9: {  	[smem:$0x3FAF] =	sst s1  }
0xa: {  	[smem:$0x3FB0] =	sst s2  }
0xb: {  	[smem:$0x3FB1] =	sst s3  }
0xc: {  	[smem:$0x3FB2] =	sst s4  }
0xd: {  	[smem:$0x3FB3] =	sst s5  }
0xe: {  	[smem:$0x3FB4] =	sst s6  }
0xf: {  	[smem:$0x3FB5] =	sst s7  }
0x10: {  	[smem:$0x3FB6] =	sst s8  }
0x11: {  	[smem:$0x3FB7] =	sst s9;
	s0 =	simm.s32 @!p0 $0x0  }
0x12: {  	s1 =	sld [smem:$0x3F9D];
	s0 =	simm.s32 @p0 $0x1  }
0x13: {  	[smem:$0x3FB8] =	sst s0;
	s0 =	simm.s32 @!p1 $0x0  }
0x14: {  	s2 =	sld [smem:$0x3F9C];
	s0 =	simm.s32 @p1 $0x1  }
0x15: {  	[smem:$0x3FB9] =	sst s0;
	s0 =	simm.s32 @!p2 $0x0  }
0x16: {  	s3 =	sld [smem:$0x3FDB];
	s0 =	simm.s32 @p2 $0x1  }
0x17: {  	s4 =	simm.s32 $0x1BF5;
	[smem:$0x3FBB] =	sst s0  }
0x18: {  	s0 =	sld [smem:$0x3F9E];
	_ =	swait.ge [sflag:s4], $0x0  }
0x19: {  	s7 =	sld [smem:$0x3F9F]  }
0x1a: {  	s8 =	sadd.s32 $0xFFFFE003, lr  }
0x1b: {  	s9 =	sadd.s32 $0xFFFFFEF7, lr;
	s5 =	simm.s32 $0xFFFFFFFF;
	p2 =	slt.u32 s8, $0xFFFFF086  }
0x1c: {  	p1 =	slt.u32 s9, $0xF7A;
	s5 =	simm.s32 @!p2 $0x0  }
0x1d: {  	s5 =	simm.s32 @p1 $0x1;
	p0 =	seq.s32 s7, s2  }
0x1e: {  	s7 =	smul.u32 @!p0 $0xF7A, s2;
	p2 =	seq.s32 @!p0 s5, $0x0  }
0x1f: {  	s9 =	smul.u32 $0xF7A, s1;
	s8 =	simm.s32 @!p0 $0x1BF5;
	p2 =	por !p2, p0  }
0x20: {  	[sflag:s8] =	ssyncset.s32 @!p0 $0xFFFFF086;
	s6 =	sadd.s32 @!p0 s3, s7;
	s7 =	simm.s32 @!p0 $0x108  }
0x21: {  	s3 =	sadd.s32 s3, s9;
	s6 =	sadd.s32 @!p0 $0x88, s6;
	s7 =	simm.s32 @p2 $0x1082  }
0x22: {  	[simem:s7], [sflag:s8] =	dma.local @!p0 [hbm:s6], $0xF7A  }
0x23: {  	s9 =	sor.u32 $0xD0000000, s2;
	s6 =	simm.s32 $0x108;
	_ =	swait.ge @!p0 [sflag:s8], $0x0  }
0x24: {  	s3 =	sadd.s32 $0x88, s3;
	s6 =	simm.s32 @!p1 $0x1082;
	[sflag:s4] =	ssyncset.s32 $0xFFFFF086  }
0x25: {  	[simem:s6], [sflag:s4] =	dma.local [hbm:s3], $0xF7A  }
0x26: {  	[smem:$0x3F9F] =	sst s1;
	(tag) =	ssettag s2;
	_ =	strace s9  }
0x27: {  	s1 =	sld [smem:$0x3FAF]  }
0x28: {  	s2 =	sld [smem:$0x3FB0]  }
0x29: {  	s4 =	sld [smem:$0x3FB2]  }
0x2a: {  	p0 =	seq.s32 s5, $0x0;
	s5 =	sld [smem:$0x3FB3]  }
0x2b: {  	s6 =	sld [smem:$0x3FB4]  }
0x2c: {  	s7 =	sld [smem:$0x3FB5]  }
0x2d: {  	s3 =	simm.s32 $0x108;
	s8 =	sld [smem:$0x3FB6]  }
0x2e: {  	s3 =	simm.s32 @!p0 $0x1082;
	s9 =	sld [smem:$0x3FB7]  }
0x2f: {  	lr =	sadd.s32 s0, s3;
	s0 =	sld [smem:$0x3FAE]  }
0x30: {  	s3 =	sld [smem:$0x3FB1]  }
0x31: {  	[smem:$0x3FBA] =	sst s10  }
0x32: {  	s10 =	sld [smem:$0x3FB8];
	_ =	sdelay $0x3  }
0x33: {  	p0 =	seq.s32 s10, $0x1;
	s10 =	sld [smem:$0x3FBA];
	_ =	sdelay $0x3  }
0x34: {  	[smem:$0x3FBA] =	sst s10  }
0x35: {  	s10 =	sld [smem:$0x3FB9];
	_ =	sdelay $0x3  }
0x36: {  	p1 =	seq.s32 s10, $0x1;
	s10 =	sld [smem:$0x3FBA];
	_ =	sdelay $0x3  }
0x37: {  	[smem:$0x3FBA] =	sst s10  }
0x38: {  	s10 =	sld [smem:$0x3FBB]  }
0x39: {  	_ = 	snop;
	(pc) =	sbr.ind lr, $3  }
0x3a: {  	_ = 	snop  }
0x3b: {  	_ = 	snop  }
0x3c: {  	p2 =	seq.s32 s10, $0x1;
	s10 =	sld [smem:$0x3FBA]  }
0x3d: {  	_ =	shalt  }
0x3e: {  	_ =	shalt  }
0x3f: {  	_ =	shalt  }
0x40: {  	_ =	shalt  }
0x41: {  	_ =	shalt  }
0x42: {  	_ =	shalt  }
0x43: {  	_ =	shalt  }
0x44: {  	_ =	shalt  }
0x45: {  	_ =	shalt  }
0x46: {  	_ =	shalt  }
0x47: {  	_ =	shalt  }
0x48: {  	_ =	shalt  }
0x49: {  	_ =	shalt  }
0x4a: {  	_ =	shalt  }
0x4b: {  	_ =	shalt  }
0x4c: {  	_ =	shalt  }
0x4d: {  	_ =	shalt  }
0x4e: {  	_ =	shalt  }
0x4f: {  	_ =	shalt  }
0x50: {  	_ =	shalt  }
0x51: {  	_ =	shalt  }
0x52: {  	_ =	shalt  }
0x53: {  	_ =	shalt  }
0x54: {  	_ =	shalt  }
0x55: {  	_ =	shalt  }
0x56: {  	_ =	shalt  }
0x57: {  	_ =	shalt  }
0x58: {  	_ =	shalt  }
0x59: {  	_ =	shalt  }
0x5a: {  	_ =	shalt  }
0x5b: {  	_ =	shalt  }
0x5c: {  	_ =	shalt  }
0x5d: {  	_ =	shalt  }
0x5e: {  	_ =	shalt  }
0x5f: {  	_ =	shalt  }
0x60: {  	_ =	shalt  }
0x61: {  	_ =	shalt  }
0x62: {  	_ =	shalt  }
0x63: {  	_ =	shalt  }
0x64: {  	_ =	shalt  }
0x65: {  	_ =	shalt  }
0x66: {  	_ =	shalt  }
0x67: {  	_ =	shalt  }
0x68: {  	_ =	shalt  }
0x69: {  	_ =	shalt  }
0x6a: {  	_ =	shalt  }
0x6b: {  	_ =	shalt  }
0x6c: {  	_ =	shalt  }
0x6d: {  	_ =	shalt  }
0x6e: {  	_ =	shalt  }
0x6f: {  	_ =	shalt  }
0x70: {  	_ =	shalt  }
0x71: {  	_ =	shalt  }
0x72: {  	_ =	shalt  }
0x73: {  	_ =	shalt  }
0x74: {  	_ =	shalt  }
0x75: {  	_ =	shalt  }
0x76: {  	_ =	shalt  }
0x77: {  	_ =	shalt  }
0x78: {  	_ =	shalt  }
0x79: {  	_ =	shalt  }
0x7a: {  	_ =	shalt  }
0x7b: {  	_ =	shalt  }
0x7c: {  	_ =	shalt  }
0x7d: {  	_ =	shalt  }
0x7e: {  	_ =	shalt  }
0x7f: {  	_ =	shalt  }
0x80: {  	_ =	shalt  }
0x81: {  	_ =	shalt  }
0x82: {  	_ =	shalt  }
0x83: {  	_ =	shalt  }
0x84: {  	_ =	shalt  }
0x85: {  	_ =	shalt  }
0x86: {  	_ =	shalt  }
0x87: {  	_ =	shalt  }
.Lfunc_end0:
.L_simem_size_0:
called_computation.1_lowered:
.L_overlay_start_0:
0x88: {  	s2 =	sld [smem:$0x3FD9]  }
0x89: {  	s3 =	sld [smem:$0x3FFE];
	_ =	sdelay $0x1  }
0x8a: {  	s1 =	srdreg.scid  }
0x8b: {  	s0 =	sand.u32 $0x1, s1  }
0x8c: {  	s17 =	sshll.u32 s0, $0xA;
	s2 =	sadd.s32 s3, s2  }
0x8d: {  	s2 =	sadd.s32 s2, s17  }
0x8e: {  	[smem:$0x3FC6] =	sst s2  }
0x8f: {  	_ = 	snop  }
0x90: {  	s18 =	sld [smem:$0x3FC8];
	(tm) =	ssettm $0x1  }
0x91: {  	s19 =	sld [smem:$0x3FFB];
	_ =	sdelay $0x3  }
0x92: {  	_ =	strace s19  }
0x93: {  	s2 =	sld [smem:$0x3FFC];
	_ =	sdelay $0x3  }
0x94: {  	_ =	strace s2  }
0x95: {  	s2 =	sld [smem:$0x3FFD];
	_ =	sdelay $0x3  }
0x96: {  	_ =	strace s2  }
0x97: {  	_ =	strace $0x8FFFFFFF  }
0x98: {  	s20 =	sld [smem:$0x3FDB];
	_ =	sdelay $0x1  }
0x99: {  	s4 =	simm.s32 $_scs_section_size  }
0x9a: {  	s5 =	simm.s32 $_size__tile_overlayer_lowered;
	s6 =	simm.s32 $_tile_overlayer_lowered  }
0x9b: {  	s7 =	simm.s32 $0x1BFF;
	s21 =	sshll.u32 s6, $0x1;
	s4 =	sadd.s32 s4, s20  }
0x9c: {  	s22 =	simm.s32 $0x0;
	s5 =	sshll.u32 s5, $0x1;
	s6 =	sadd.s32 s21, s4  }
0x9d: {  	[timem:s22], [sflag:s7] =	dma.local [hbm:s6], s5  }
0x9e: {  	_ =	swait.ge [sflag:s7], s5  }
0x9f: {  	s5 =	ssub.s32 $0x0, s5;
	[sflag:s7] =	ssyncset.done $0x0  }
0xa0: {  	[sflag:s7] =	ssyncadd.s32 s5;
	_ =	sdelay $0x1  }
0xa1: {  	s23 =	simm.s32 $0x1B8B  }
0xa2: {  	_ =	swait.ge [sflag:s23], $0x1  }
0xa3: {  	[sflag:s23] =	ssyncset.done $0x0  }
0xa4: {  	[sflag:s23] =	ssyncadd.s32 $0xFFFFFFFF  }
0xa5: {  	s5 =	sld [smem:$0x0]  }
0xa6: {  	s6 =	sand.u32 $0xFFFFFFFE, s1  }
0xa7: {  	p0 =	sne.s32 s1, s6  }
0xa8: {  	s6 =	sshll.u32 @p0 s6, $0xE  }
0xa9: {  	s6 =	sadd.s32 @p0 $0x11B8D, s6;
	s7 =	sshll.u32 @p0 s5, $0x11  }
0xaa: {  	s6 =	sor.u32 @p0 s7, s6  }
0xab: {  	[sflag:s6] =	ssyncadd.remote.s32 @p0 $0x1;
	_ =	sdelay $0x1  }
0xac: {  	s6 =	simm.s32 @p0 $0x1B8D  }
0xad: {  	_ =	swait.eq @p0 [sflag:s6], $0x1  }
0xae: {  	[sflag:s6] =	ssyncadd.s32 @p0 $0xFFFFFFFF  }
0xaf: {  	s7 =	sshll.u32 @!p0 s1, $0xE  }
0xb0: {  	s7 =	sor.u32 @!p0 $0x4000, s7;
	s6 =	simm.s32 @!p0 $0x1B8D  }
0xb1: {  	s5 =	sshll.u32 @!p0 s5, $0x11;
	s7 =	sadd.s32 @!p0 $0x11B8D, s7;
	_ =	swait.eq @!p0 [sflag:s6], $0x1  }
0xb2: {  	s5 =	sor.u32 @!p0 s5, s7;
	[sflag:s6] =	ssyncadd.s32 @!p0 $0xFFFFFFFF  }
0xb3: {  	s25 =	simm.s32 $0x1B8E;
	s24 =	sld [smem:$0x3FFE];
	[sflag:s5] =	ssyncadd.remote.s32 @!p0 $0x1  }
0xb4: {  	s26 =	simm.s32 $execute0_lowered;
	[smem:$0x3FD2] =	sst s25  }
0xb5: {  	s6 =	sshll.u32 s26, $0x1;
	_ =	strace $0x80000049;
	[dreg:$0x1] =	wrdreg $0xFFFFFFFF  }
0xb6: {  	s28 =	simm.s32 $_size_execute0_lowered;
	s4 =	sadd.s32 s4, s6;
	[dreg:$0x0] =	wrdreg $0x0  }
0xb7: {  	s6 =	sshll.u32 s28, $0x1;
	[dreg:$0x2] =	wrdreg s4  }
0xb8: {  	[dreg:$0x3] =	wrdreg s6  }
0xb9: {  	[dreg:$0x4] =	wrdreg $0xC0  }
0xba: {  	_ =	task [dreg:s22], $0x5FFFF  }
0xbb: {  	[dreg:$0x1] =	wrdreg $0xFFFFFFFF  }
0xbc: {  	[dreg:$0x0] =	wrdreg $0x60  }
0xbd: {  	[dreg:$0x2] =	wrdreg s18  }
0xbe: {  	[dreg:$0x3] =	wrdreg s24  }
0xbf: {  	[dreg:$0x4] =	wrdreg $0xA  }
0xc0: {  	_ =	task.clear_ibuf [dreg:s22], $0x5FFFF;
	_ =	strace $0x90000049  }
0xc1: {  	s29 =	simm.s32 $0xA;
	_ =	strace $0x8000004B  }
0xc2: {  	_ =	swait.ge [sflag:s29], $0x1  }
0xc3: {  	[sflag:s29] =	ssyncadd.s32 $0xFFFFFFFF  }
0xc4: {  	_ =	strace $0x9000004B  }
0xc5: {  	_ =	sfence  }
0xc6: {  	s30 =	sld [smem:$0x0];
	_ =	sdelay $0x2  }
0xc7: {  	s31 =	sshll.u32 s1, $0xD;
	s1 =	sshrl.u32 s1, $0x2  }
0xc8: {  	s4 =	sand.u32 $0x4000, s31;
	s1 =	sadd.s32 s1, s30  }
0xc9: {  	s0 =	sor.u32 s4, s0;
	s1 =	sshll.u32 s1, $0x11  }
0xca: {  	s0 =	sor.u32 s1, s0  }
0xcb: {  	s0 =	sadd.s32 $0x8F2B, s0  }
0xcc: {  	[sflag:s0] =	ssyncadd.remote.s32 $0x1  }
0xcd: {  	_ =	sfence.sel $0xFFFF  }
0xce: {  	[dreg:$0x0] =	wrdreg $0xFFFFFFFF;
	(pc) =	sbr.abs _section_cstart, $3  }
0xcf: {  	[dreg:$0x1] =	wrdreg $0xFFFFFFFF  }
0xd0: {  	_ =	task.clear_ibuf [dreg:s22], $0x2FFFF;
	_ =	strace $0x9FFFFFFF  }
0xd1: {  	(tm) =	ssettm $0x7FFFFFFF  }
tec
execute0_lowered:
.L_overlay_start_1:
0x0: {  	(tag) =	ssettag $0x1  }
0x1: {  	s2 =	rddreg [dreg:$0x0];
	s1 =	srdreg.scid  }
0x2: {  	s0 =	stileid.u32;
	s4 =	rddreg [dreg:$0x1]  }
0x3: {  	s3 =	simm.s32 $0x0;
	s24 =	simm.s32 $0x80;
	s25 =	simm.s32 $0x900  }
0x4: {  	s26 =	simm.s32 $0x1100;
	s10 =	simm.s32 $0x3100;
	s11 =	simm.s32 $0x3900  }
0x5: {  	s12 =	simm.s32 $0x4100;
	s13 =	simm.s32 $0x4900;
	s14 =	simm.s32 $0x5100  }
0x6: {  	s15 =	simm.s32 $0x5900;
	s16 =	simm.s32 $0x6100;
	s17 =	simm.s32 $0x6900  }
0x7: {  	s18 =	simm.s32 $0x7100;
	s19 =	simm.s32 $0x7900;
	s20 =	simm.s32 $0x8100  }
0x8: {  	s21 =	simm.s32 $0x8900;
	s22 =	simm.s32 $0x9100;
	s28 =	simm.s32 $0xB900  }
0x9: {  	s29 =	simm.s32 $0x2;
	s30 =	simm.s32 $0x3;
	s31 =	simm.s32 $0x4  }
0xa: {  	s1 =	sand.u32 $0x1, s1;
	s5 =	sshll.u32 s0, $0x1;
	[smem:$0x7FF] =	sst s3  }
0xb: {  	s7 =	sadd.s32 $0x1C00, s4;
	_ =	strace $0x8000004A;
	[dreg:$0x7] =	wrdreg s24  }
0xc: {  	s4 =	sadd.s32 $0x2000, s4;
	s5 =	sor.u32 s1, s5;
	[dreg:$0x8] =	wrdreg s25  }
0xd: {  	s1 =	ssub.s32 $0x2, s1;
	[dreg:$0x9] =	wrdreg s26;
	s24 =	simm.s32 $0xA100  }
0xe: {  	s25 =	simm.s32 $0xA900;
	s6 =	smul.u32 $0xC0, s5;
	s23 =	sshrl.u32 s1, $0x1  }
0xf: {  	s26 =	simm.s32 $0xB100;
	s5 =	smul.u32 $0x1800, s5;
	s1 =	ssub.s32 s1, s23  }
0x10: {  	s23 =	simm.s32 $0x9900;
	s8 =	sshrl.u32 s6, $0x3;
	s6 =	sadd.s32 $0x60, s6  }
0x11: {  	s5 =	sadd.s32 s4, s5;
	s8 =	sadd.s32 s7, s8;
	s9 =	sshrl.u32 s6, $0x3  }
0x12: {  	s6 =	sshll.u32 s6, $0x5;
	[dreg:$0x5] =	wrdreg s5;
	s5 =	simm.s32 $0x1  }
0x13: {  	v2 =	vlaneseq.u32;
	[dreg:$0x3] =	wrdreg s8;
	s7 =	sadd.s32 s7, s9;
	s4 =	sadd.s32 s4, s6  }
0x14: {  	vm0 =	vmmov $0xffff;
	v1 =	vshrl.u32 v2, $0x3;
	s6 =	simm.s32 $0x100;
	s9 =	simm.s32 $0x2900;
	[dreg:$0x4] =	wrdreg s7  }
0x15: {  	v0 =	vand.u32 $0x7, v2;
	v2 =	vor.u32 $0x8, v2;
	v1 =	vmul.u32 $0x8, v1;
	[dreg:$0x6] =	wrdreg s4;
	s4 =	smax.u32 s1, $0x1;
	s1 =	simm.s32 $0x5  }
.LBB2_1:
0x16: {  	s0 =	rddreg [dreg:$0x3]  }
0x17: {  	s7 =	rddreg [dreg:$0x4]  }
0x18: {  	[tilespmem:s3], [sflag:$0x1] =	stream.linear.gather [hbm4b:s0+s3], $0x60, $0x38;
	[tilespmem:$0xC100] =	vst v63  }
0x19: {  	s8 =	rddreg [dreg:$0x7]  }
0x1a: {  	[tilespmem:s8], [sflag:$0x1] =	stream.linear.gather [hbm4b:s7+s3], $0x60, $0x38;
	[tilespmem:$0xC100] =	vst v63  }
0x1b: {  	_ =	swait.ge [sflag:s5], $0x60  }
0x1c: {  	[sflag:s5] =	ssyncset.done $0x0  }
0x1d: {  	[sflag:s5] =	ssyncadd.s32 $0xFFFFFFA0  }
0x1e: {  	_ =	swait.ge [sflag:s5], $0x60  }
0x1f: {  	[sflag:s5] =	ssyncset.done $0x0  }
0x20: {  	[sflag:s5] =	ssyncadd.s32 $0xFFFFFFA0  }
0x21: {  	v3 =	vld [tilespmem:$0x0];
	_ =	sdelay $0x4  }
0x22: {  	v4 =	vshll.u32 v3, $0x1  }
0x23: {  	v3 =	vand.u32 $0x7, v3;
	v4 =	vand.u32 $0xFFFFFFF0, v4  }
0x24: {  	v3 =	vor.u32 v3, v4  }
0x25: {  	v4 =	vperm.xlane v3, v0;
	_ =	sdelay $0x1  }
0x26: {  	v3 =	vperm.xlane v3, v2;
	v4 =	vadd.s32 v1, v4;
	_ =	sdelay $0x1  }
0x27: {  	v3 =	vadd.s32 v1, v3;
	_ =	sdelay $0x2  }
0x28: {  	[tilespmem:s6], [sflag:$0x2] =	stream.indirect_vreg.gather [hbm4b:s2+s3], $0x80, v4, vm0, $0xb8;
	[tilespmem:$0xC100] =	vst v63  }
0x29: {  	s7 =	rddreg [dreg:$0x8]  }
0x2a: {  	[tilespmem:s7], [sflag:$0x2] =	stream.indirect_vreg.gather [hbm4b:s2+s3], $0x80, v3, vm0, $0xb8;
	[tilespmem:$0xC100] =	vst v63  }
0x2b: {  	v3 =	vld [tilespmem:$0x10];
	_ =	sdelay $0x4  }
0x2c: {  	v53 =	vshll.u32 v3, $0x1  }
0x2d: {  	v3 =	vand.u32 $0x7, v3;
	v4 =	vand.u32 $0xFFFFFFF0, v53  }
0x2e: {  	v3 =	vor.u32 v3, v4  }
0x2f: {  	v4 =	vperm.xlane v3, v0;
	_ =	sdelay $0x1  }
0x30: {  	v3 =	vperm.xlane v3, v2;
	v4 =	vadd.s32 v1, v4;
	_ =	sdelay $0x1  }
0x31: {  	v3 =	vadd.s32 v1, v3;
	_ =	sdelay $0x1  }
0x32: {  	s8 =	rddreg [dreg:$0x9]  }
0x33: {  	[tilespmem:s8], [sflag:$0x2] =	stream.indirect_vreg.gather [hbm4b:s2+s3], $0x80, v4, vm0, $0xb8;
	[tilespmem:$0xC100] =	vst v63  }
0x34: {  	s7 =	simm.s32 $0x1900  }
0x35: {  	[tilespmem:s7], [sflag:$0x2] =	stream.indirect_vreg.gather [hbm4b:s2+s3], $0x80, v3, vm0, $0xb8;
	[tilespmem:$0xC100] =	vst v63  }
0x36: {  	v3 =	vld [tilespmem:$0x20];
	_ =	sdelay $0x4  }
0x37: {  	v54 =	vshll.u32 v3, $0x1  }
0x38: {  	v3 =	vand.u32 $0x7, v3;
	v4 =	vand.u32 $0xFFFFFFF0, v54  }
0x39: {  	v3 =	vor.u32 v3, v4  }
0x3a: {  	v4 =	vperm.xlane v3, v0;
	_ =	sdelay $0x1  }
0x3b: {  	v3 =	vperm.xlane v3, v2;
	v4 =	vadd.s32 v1, v4;
	_ =	sdelay $0x1  }
0x3c: {  	v3 =	vadd.s32 v1, v3;
	_ =	sdelay $0x1  }
0x3d: {  	s8 =	simm.s32 $0x2100  }
0x3e: {  	[tilespmem:s8], [sflag:$0x2] =	stream.indirect_vreg.gather [hbm4b:s2+s3], $0x80, v4, vm0, $0xb8;
	[tilespmem:$0xC100] =	vst v63  }
0x3f: {  	_ = 	snop  }
0x40: {  	[tilespmem:s9], [sflag:$0x2] =	stream.indirect_vreg.gather [hbm4b:s2+s3], $0x80, v3, vm0, $0xb8;
	[tilespmem:$0xC100] =	vst v63  }
0x41: {  	v3 =	vld [tilespmem:$0x30];
	_ =	sdelay $0x4  }
0x42: {  	v55 =	vshll.u32 v3, $0x1  }
0x43: {  	v3 =	vand.u32 $0x7, v3;
	v4 =	vand.u32 $0xFFFFFFF0, v55  }
0x44: {  	v3 =	vor.u32 v3, v4  }
0x45: {  	v4 =	vperm.xlane v3, v0;
	_ =	sdelay $0x1  }
0x46: {  	v3 =	vperm.xlane v3, v2;
	v4 =	vadd.s32 v1, v4;
	_ =	sdelay $0x1  }
0x47: {  	v3 =	vadd.s32 v1, v3;
	_ =	sdelay $0x2  }
0x48: {  	[tilespmem:s10], [sflag:$0x2] =	stream.indirect_vreg.gather [hbm4b:s2+s3], $0x80, v4, vm0, $0xb8;
	[tilespmem:$0xC100] =	vst v63  }
0x49: {  	_ = 	snop  }
0x4a: {  	[tilespmem:s11], [sflag:$0x2] =	stream.indirect_vreg.gather [hbm4b:s2+s3], $0x80, v3, vm0, $0xb8;
	[tilespmem:$0xC100] =	vst v63  }
0x4b: {  	v3 =	vld [tilespmem:$0x40];
	_ =	sdelay $0x4  }
0x4c: {  	v56 =	vshll.u32 v3, $0x1  }
0x4d: {  	v3 =	vand.u32 $0x7, v3;
	v4 =	vand.u32 $0xFFFFFFF0, v56  }
0x4e: {  	v3 =	vor.u32 v3, v4  }
0x4f: {  	v4 =	vperm.xlane v3, v0;
	_ =	sdelay $0x1  }
0x50: {  	v3 =	vperm.xlane v3, v2;
	v4 =	vadd.s32 v1, v4;
	_ =	sdelay $0x1  }
0x51: {  	v3 =	vadd.s32 v1, v3;
	_ =	sdelay $0x2  }
0x52: {  	[tilespmem:s12], [sflag:$0x2] =	stream.indirect_vreg.gather [hbm4b:s2+s3], $0x80, v4, vm0, $0xb8;
	[tilespmem:$0xC100] =	vst v63  }
0x53: {  	_ = 	snop  }
0x54: {  	[tilespmem:s13], [sflag:$0x2] =	stream.indirect_vreg.gather [hbm4b:s2+s3], $0x80, v3, vm0, $0xb8;
	[tilespmem:$0xC100] =	vst v63  }
0x55: {  	v3 =	vld [tilespmem:$0x50];
	_ =	sdelay $0x4  }
0x56: {  	v57 =	vshll.u32 v3, $0x1  }
0x57: {  	v3 =	vand.u32 $0x7, v3;
	v4 =	vand.u32 $0xFFFFFFF0, v57  }
0x58: {  	v3 =	vor.u32 v3, v4  }
0x59: {  	v4 =	vperm.xlane v3, v0;
	_ =	sdelay $0x1  }
0x5a: {  	v3 =	vperm.xlane v3, v2;
	v4 =	vadd.s32 v1, v4;
	_ =	sdelay $0x1  }
0x5b: {  	v3 =	vadd.s32 v1, v3;
	_ =	sdelay $0x2  }
0x5c: {  	[tilespmem:s14], [sflag:$0x2] =	stream.indirect_vreg.gather [hbm4b:s2+s3], $0x80, v4, vm0, $0xb8;
	[tilespmem:$0xC100] =	vst v63  }
0x5d: {  	_ = 	snop  }
0x5e: {  	[tilespmem:s15], [sflag:$0x2] =	stream.indirect_vreg.gather [hbm4b:s2+s3], $0x80, v3, vm0, $0xb8;
	[tilespmem:$0xC100] =	vst v63  }
0x5f: {  	v3 =	vld [tilespmem:$0x80];
	_ =	sdelay $0x4  }
0x60: {  	v58 =	vshll.u32 v3, $0x1  }
0x61: {  	v3 =	vand.u32 $0x7, v3;
	v4 =	vand.u32 $0xFFFFFFF0, v58  }
0x62: {  	v3 =	vor.u32 v3, v4  }
0x63: {  	v4 =	vperm.xlane v3, v0;
	_ =	sdelay $0x1  }
0x64: {  	v3 =	vperm.xlane v3, v2;
	v4 =	vadd.s32 v1, v4;
	_ =	sdelay $0x1  }
0x65: {  	v3 =	vadd.s32 v1, v3;
	_ =	sdelay $0x2  }
0x66: {  	[tilespmem:s16], [sflag:$0x3] =	stream.indirect_vreg.gather [hbm4b:s2+s3], $0x80, v4, vm0, $0xb8;
	[tilespmem:$0xC100] =	vst v63  }
0x67: {  	_ = 	snop  }
0x68: {  	[tilespmem:s17], [sflag:$0x3] =	stream.indirect_vreg.gather [hbm4b:s2+s3], $0x80, v3, vm0, $0xb8;
	[tilespmem:$0xC100] =	vst v63  }
0x69: {  	v3 =	vld [tilespmem:$0x90];
	_ =	sdelay $0x4  }
0x6a: {  	v59 =	vshll.u32 v3, $0x1  }
0x6b: {  	v3 =	vand.u32 $0x7, v3;
	v4 =	vand.u32 $0xFFFFFFF0, v59  }
0x6c: {  	v3 =	vor.u32 v3, v4  }
0x6d: {  	v4 =	vperm.xlane v3, v0;
	_ =	sdelay $0x1  }
0x6e: {  	v3 =	vperm.xlane v3, v2;
	v4 =	vadd.s32 v1, v4;
	_ =	sdelay $0x1  }
0x6f: {  	v3 =	vadd.s32 v1, v3;
	_ =	sdelay $0x2  }
0x70: {  	[tilespmem:s18], [sflag:$0x3] =	stream.indirect_vreg.gather [hbm4b:s2+s3], $0x80, v4, vm0, $0xb8;
	[tilespmem:$0xC100] =	vst v63  }
0x71: {  	_ = 	snop  }
0x72: {  	[tilespmem:s19], [sflag:$0x3] =	stream.indirect_vreg.gather [hbm4b:s2+s3], $0x80, v3, vm0, $0xb8;
	[tilespmem:$0xC100] =	vst v63  }
0x73: {  	v3 =	vld [tilespmem:$0xA0];
	_ =	sdelay $0x4  }
0x74: {  	v60 =	vshll.u32 v3, $0x1  }
0x75: {  	v3 =	vand.u32 $0x7, v3;
	v4 =	vand.u32 $0xFFFFFFF0, v60  }
0x76: {  	v3 =	vor.u32 v3, v4  }
0x77: {  	v4 =	vperm.xlane v3, v0;
	_ =	sdelay $0x1  }
0x78: {  	v3 =	vperm.xlane v3, v2;
	v4 =	vadd.s32 v1, v4;
	_ =	sdelay $0x1  }
0x79: {  	v3 =	vadd.s32 v1, v3;
	_ =	sdelay $0x2  }
0x7a: {  	[tilespmem:s20], [sflag:$0x3] =	stream.indirect_vreg.gather [hbm4b:s2+s3], $0x80, v4, vm0, $0xb8;
	[tilespmem:$0xC100] =	vst v63  }
0x7b: {  	_ = 	snop  }
0x7c: {  	[tilespmem:s21], [sflag:$0x3] =	stream.indirect_vreg.gather [hbm4b:s2+s3], $0x80, v3, vm0, $0xb8;
	[tilespmem:$0xC100] =	vst v63  }
0x7d: {  	v3 =	vld [tilespmem:$0xB0];
	_ =	sdelay $0x4  }
0x7e: {  	v61 =	vshll.u32 v3, $0x1  }
0x7f: {  	v3 =	vand.u32 $0x7, v3;
	v4 =	vand.u32 $0xFFFFFFF0, v61  }
0x80: {  	v3 =	vor.u32 v3, v4  }
0x81: {  	v4 =	vperm.xlane v3, v0;
	_ =	sdelay $0x1  }
0x82: {  	v3 =	vperm.xlane v3, v2;
	v4 =	vadd.s32 v1, v4;
	_ =	sdelay $0x1  }
0x83: {  	v3 =	vadd.s32 v1, v3;
	_ =	sdelay $0x2  }
0x84: {  	[tilespmem:s22], [sflag:$0x3] =	stream.indirect_vreg.gather [hbm4b:s2+s3], $0x80, v4, vm0, $0xb8;
	[tilespmem:$0xC100] =	vst v63  }
0x85: {  	_ = 	snop  }
0x86: {  	[tilespmem:s23], [sflag:$0x3] =	stream.indirect_vreg.gather [hbm4b:s2+s3], $0x80, v3, vm0, $0xb8;
	[tilespmem:$0xC100] =	vst v63  }
0x87: {  	v3 =	vld [tilespmem:$0xC0];
	_ =	sdelay $0x4  }
0x88: {  	v62 =	vshll.u32 v3, $0x1  }
0x89: {  	v3 =	vand.u32 $0x7, v3;
	v4 =	vand.u32 $0xFFFFFFF0, v62  }
0x8a: {  	v3 =	vor.u32 v3, v4  }
0x8b: {  	v4 =	vperm.xlane v3, v0;
	_ =	sdelay $0x1  }
0x8c: {  	v3 =	vperm.xlane v3, v2;
	v4 =	vadd.s32 v1, v4;
	_ =	sdelay $0x1  }
0x8d: {  	v3 =	vadd.s32 v1, v3;
	_ =	sdelay $0x2  }
0x8e: {  	[tilespmem:s24], [sflag:$0x3] =	stream.indirect_vreg.gather [hbm4b:s2+s3], $0x80, v4, vm0, $0xb8;
	[tilespmem:$0xC100] =	vst v63  }
0x8f: {  	_ = 	snop  }
0x90: {  	[tilespmem:s25], [sflag:$0x3] =	stream.indirect_vreg.gather [hbm4b:s2+s3], $0x80, v3, vm0, $0xb8;
	[tilespmem:$0xC100] =	vst v63  }
0x91: {  	v3 =	vld [tilespmem:$0xD0];
	_ =	sdelay $0x4  }
0x92: {  	v63 =	vshll.u32 v3, $0x1  }
0x93: {  	v3 =	vand.u32 $0x7, v3;
	v4 =	vand.u32 $0xFFFFFFF0, v63  }
0x94: {  	v3 =	vor.u32 v3, v4  }
0x95: {  	v4 =	vperm.xlane v3, v0;
	_ =	sdelay $0x1  }
0x96: {  	v3 =	vperm.xlane v3, v2;
	v4 =	vadd.s32 v1, v4;
	_ =	sdelay $0x1  }
0x97: {  	v3 =	vadd.s32 v1, v3;
	_ =	sdelay $0x2  }
0x98: {  	[tilespmem:s26], [sflag:$0x3] =	stream.indirect_vreg.gather [hbm4b:s2+s3], $0x80, v4, vm0, $0xb8;
	[tilespmem:$0xC100] =	vst v63  }
0x99: {  	_ = 	snop  }
0x9a: {  	[tilespmem:s28], [sflag:$0x3] =	stream.indirect_vreg.gather [hbm4b:s2+s3], $0x80, v3, vm0, $0xb8;
	[tilespmem:$0xC100] =	vst v63  }
0x9b: {  	_ =	swait.ge [sflag:s29], $0x6000  }
0x9c: {  	[sflag:s29] =	ssyncset.done $0x0  }
0x9d: {  	s7 =	rddreg [dreg:$0x5];
	[sflag:s29] =	ssyncadd.s32 $0xFFFFA000  }
0x9e: {  	[hbm4b:s7+s3] =	stream.linear.scatter [tilespmem:s6], [sflag:$0x4], $0x6000, $0x38;
	[tilespmem:$0xC100] =	vst v63  }
0x9f: {  	_ =	swait.ge [sflag:s30], $0x6000  }
0xa0: {  	[sflag:s30] =	ssyncset.done $0x0  }
0xa1: {  	s8 =	rddreg [dreg:$0x6];
	[sflag:s30] =	ssyncadd.s32 $0xFFFFA000  }
0xa2: {  	[hbm4b:s8+s3] =	stream.linear.scatter [tilespmem:s16], [sflag:$0x5], $0x6000, $0x38;
	[tilespmem:$0xC100] =	vst v63  }
0xa3: {  	p0 =	sne.s32 s4, $0x1;
	_ =	swait.ge [sflag:s31], $0x6000  }
.Ltmp0:
0xa4: {  	[sflag:s31] =	ssyncset.done $0x0;
	(pc) =	sbr.rel @p0 .LBB2_1-.Ltmp0, $4  }
0xa5: {  	[sflag:s31] =	ssyncadd.s32 $0xFFFFA000  }
0xa6: {  	_ =	swait.ge [sflag:s1], $0x6000  }
0xa7: {  	[sflag:s1] =	ssyncset.done $0x0  }
0xa8: {  	s4 =	sadd.s32 $0xFFFFFFFF, s4;
	[sflag:s1] =	ssyncadd.s32 $0xFFFFA000  }
0xa9: {  	_ =	sfence.sel $0x180000  }
0xaa: {  	[bflag:$0x0] =	sbarrier.arrive $0xFFFF  }
0xab: {  	_ =	strace $0x9000004A  }
0xac: {  	s0 =	stileid.u32;
	[bflag:$0x2] =	sbarrier.arrive $0xFFFF  }
0xad: {  	p0 =	sne.s32 s0, $0x0;
	s0 =	rddreg [dreg:$0x2]  }
0xae: {  	s0 =	sadd.s32 @!p0 $0x100000, s0  }
0xaf: {  	[sflag:s0] =	ssyncadd.tile.s32 @!p0 $0x1;
	_ =	shalt  }
.Lfunc_end2:
_tile_overlayer_lowered:
.L_overlay_start_2:
0xb0: {  	(tag) =	ssettag $0x2  }
0xb1: {  	s0 =	rddreg [dreg:$0x0];
	s2 =	stileid.u32  }
0xb2: {  	s1 =	rddreg [dreg:$0x1];
	p0 =	sne.s32 s2, $0x0  }
0xb3: {  	s3 =	rddreg [dreg:$0x2];
	[bflag:$0x3] =	sbarrier.arrive $0xFFFF;
	s2 =	simm.s32 @!p0 $0x1C06  }
0xb4: {  	[timem:s3], [sflag:s2] =	dma.local @!p0 [hbm:s0], s1  }
0xb5: {  	s0 =	simm.s32 @!p0 $0x6  }
0xb6: {  	_ =	swait.ge @!p0 [sflag:s0], s1  }
0xb7: {  	s1 =	ssub.s32 @!p0 $0x0, s1;
	[sflag:s0] =	ssyncset.done @!p0 $0x0  }
0xb8: {  	[sflag:s0] =	ssyncadd.s32 @!p0 s1  }
0xb9: {  	[bflag:$0x3] =	sbarrier.arrive $0xFFFF  }
0xba: {  	_ =	shalt  }

// kernel: kernel.7.cloned.1.call-start
scs
__scs_entry_jumppad:
0x0: {  	(pc) =	sbr.rel $0x88, $3  }
0x1: {  	(tag) =	ssettag $0x0;
	lr =	simm.s32 $0x1  }
0x2: {  	[smem:$0x3F9F] =	sst lr;
	_ =	strace $0xD0000000  }
0x3: {  	_ = 	snop  }
0x4: {  	_ = 	snop  }
0x5: {  	_ = 	snop  }
0x6: {  	_ = 	snop  }
0x7: {  	_ = 	snop  }
__scs_overlays_trampoline_lowered:
0x8: {  	[smem:$0x3FAE] =	sst s0  }
0x9: {  	[smem:$0x3FAF] =	sst s1  }
0xa: {  	[smem:$0x3FB0] =	sst s2  }
0xb: {  	[smem:$0x3FB1] =	sst s3  }
0xc: {  	[smem:$0x3FB2] =	sst s4  }
0xd: {  	[smem:$0x3FB3] =	sst s5  }
0xe: {  	[smem:$0x3FB4] =	sst s6  }
0xf: {  	[smem:$0x3FB5] =	sst s7  }
0x10: {  	[smem:$0x3FB6] =	sst s8  }
0x11: {  	[smem:$0x3FB7] =	sst s9;
	s0 =	simm.s32 @!p0 $0x0  }
0x12: {  	s1 =	sld [smem:$0x3F9D];
	s0 =	simm.s32 @p0 $0x1  }
0x13: {  	[smem:$0x3FB8] =	sst s0;
	s0 =	simm.s32 @!p1 $0x0  }
0x14: {  	s2 =	sld [smem:$0x3F9C];
	s0 =	simm.s32 @p1 $0x1  }
0x15: {  	[smem:$0x3FB9] =	sst s0;
	s0 =	simm.s32 @!p2 $0x0  }
0x16: {  	s3 =	sld [smem:$0x3FDB];
	s0 =	simm.s32 @p2 $0x1  }
0x17: {  	s4 =	simm.s32 $0x1BF5;
	[smem:$0x3FBB] =	sst s0  }
0x18: {  	s0 =	sld [smem:$0x3F9E];
	_ =	swait.ge [sflag:s4], $0x0  }
0x19: {  	s7 =	sld [smem:$0x3F9F]  }
0x1a: {  	s8 =	sadd.s32 $0xFFFFE003, lr  }
0x1b: {  	s9 =	sadd.s32 $0xFFFFFEF7, lr;
	s5 =	simm.s32 $0xFFFFFFFF;
	p2 =	slt.u32 s8, $0xFFFFF086  }
0x1c: {  	p1 =	slt.u32 s9, $0xF7A;
	s5 =	simm.s32 @!p2 $0x0  }
0x1d: {  	s5 =	simm.s32 @p1 $0x1;
	p0 =	seq.s32 s7, s2  }
0x1e: {  	s7 =	smul.u32 @!p0 $0xF7A, s2;
	p2 =	seq.s32 @!p0 s5, $0x0  }
0x1f: {  	s9 =	smul.u32 $0xF7A, s1;
	s8 =	simm.s32 @!p0 $0x1BF5;
	p2 =	por !p2, p0  }
0x20: {  	[sflag:s8] =	ssyncset.s32 @!p0 $0xFFFFF086;
	s6 =	sadd.s32 @!p0 s3, s7;
	s7 =	simm.s32 @!p0 $0x108  }
0x21: {  	s3 =	sadd.s32 s3, s9;
	s6 =	sadd.s32 @!p0 $0x88, s6;
	s7 =	simm.s32 @p2 $0x1082  }
0x22: {  	[simem:s7], [sflag:s8] =	dma.local @!p0 [hbm:s6], $0xF7A  }
0x23: {  	s9 =	sor.u32 $0xD0000000, s2;
	s6 =	simm.s32 $0x108;
	_ =	swait.ge @!p0 [sflag:s8], $0x0  }
0x24: {  	s3 =	sadd.s32 $0x88, s3;
	s6 =	simm.s32 @!p1 $0x1082;
	[sflag:s4] =	ssyncset.s32 $0xFFFFF086  }
0x25: {  	[simem:s6], [sflag:s4] =	dma.local [hbm:s3], $0xF7A  }
0x26: {  	[smem:$0x3F9F] =	sst s1;
	(tag) =	ssettag s2;
	_ =	strace s9  }
0x27: {  	s1 =	sld [smem:$0x3FAF]  }
0x28: {  	s2 =	sld [smem:$0x3FB0]  }
0x29: {  	s4 =	sld [smem:$0x3FB2]  }
0x2a: {  	p0 =	seq.s32 s5, $0x0;
	s5 =	sld [smem:$0x3FB3]  }
0x2b: {  	s6 =	sld [smem:$0x3FB4]  }
0x2c: {  	s7 =	sld [smem:$0x3FB5]  }
0x2d: {  	s3 =	simm.s32 $0x108;
	s8 =	sld [smem:$0x3FB6]  }
0x2e: {  	s3 =	simm.s32 @!p0 $0x1082;
	s9 =	sld [smem:$0x3FB7]  }
0x2f: {  	lr =	sadd.s32 s0, s3;
	s0 =	sld [smem:$0x3FAE]  }
0x30: {  	s3 =	sld [smem:$0x3FB1]  }
0x31: {  	[smem:$0x3FBA] =	sst s10  }
0x32: {  	s10 =	sld [smem:$0x3FB8];
	_ =	sdelay $0x3  }
0x33: {  	p0 =	seq.s32 s10, $0x1;
	s10 =	sld [smem:$0x3FBA];
	_ =	sdelay $0x3  }
0x34: {  	[smem:$0x3FBA] =	sst s10  }
0x35: {  	s10 =	sld [smem:$0x3FB9];
	_ =	sdelay $0x3  }
0x36: {  	p1 =	seq.s32 s10, $0x1;
	s10 =	sld [smem:$0x3FBA];
	_ =	sdelay $0x3  }
0x37: {  	[smem:$0x3FBA] =	sst s10  }
0x38: {  	s10 =	sld [smem:$0x3FBB]  }
0x39: {  	_ = 	snop;
	(pc) =	sbr.ind lr, $3  }
0x3a: {  	_ = 	snop  }
0x3b: {  	_ = 	snop  }
0x3c: {  	p2 =	seq.s32 s10, $0x1;
	s10 =	sld [smem:$0x3FBA]  }
0x3d: {  	_ =	shalt  }
0x3e: {  	_ =	shalt  }
0x3f: {  	_ =	shalt  }
0x40: {  	_ =	shalt  }
0x41: {  	_ =	shalt  }
0x42: {  	_ =	shalt  }
0x43: {  	_ =	shalt  }
0x44: {  	_ =	shalt  }
0x45: {  	_ =	shalt  }
0x46: {  	_ =	shalt  }
0x47: {  	_ =	shalt  }
0x48: {  	_ =	shalt  }
0x49: {  	_ =	shalt  }
0x4a: {  	_ =	shalt  }
0x4b: {  	_ =	shalt  }
0x4c: {  	_ =	shalt  }
0x4d: {  	_ =	shalt  }
0x4e: {  	_ =	shalt  }
0x4f: {  	_ =	shalt  }
0x50: {  	_ =	shalt  }
0x51: {  	_ =	shalt  }
0x52: {  	_ =	shalt  }
0x53: {  	_ =	shalt  }
0x54: {  	_ =	shalt  }
0x55: {  	_ =	shalt  }
0x56: {  	_ =	shalt  }
0x57: {  	_ =	shalt  }
0x58: {  	_ =	shalt  }
0x59: {  	_ =	shalt  }
0x5a: {  	_ =	shalt  }
0x5b: {  	_ =	shalt  }
0x5c: {  	_ =	shalt  }
0x5d: {  	_ =	shalt  }
0x5e: {  	_ =	shalt  }
0x5f: {  	_ =	shalt  }
0x60: {  	_ =	shalt  }
0x61: {  	_ =	shalt  }
0x62: {  	_ =	shalt  }
0x63: {  	_ =	shalt  }
0x64: {  	_ =	shalt  }
0x65: {  	_ =	shalt  }
0x66: {  	_ =	shalt  }
0x67: {  	_ =	shalt  }
0x68: {  	_ =	shalt  }
0x69: {  	_ =	shalt  }
0x6a: {  	_ =	shalt  }
0x6b: {  	_ =	shalt  }
0x6c: {  	_ =	shalt  }
0x6d: {  	_ =	shalt  }
0x6e: {  	_ =	shalt  }
0x6f: {  	_ =	shalt  }
0x70: {  	_ =	shalt  }
0x71: {  	_ =	shalt  }
0x72: {  	_ =	shalt  }
0x73: {  	_ =	shalt  }
0x74: {  	_ =	shalt  }
0x75: {  	_ =	shalt  }
0x76: {  	_ =	shalt  }
0x77: {  	_ =	shalt  }
0x78: {  	_ =	shalt  }
0x79: {  	_ =	shalt  }
0x7a: {  	_ =	shalt  }
0x7b: {  	_ =	shalt  }
0x7c: {  	_ =	shalt  }
0x7d: {  	_ =	shalt  }
0x7e: {  	_ =	shalt  }
0x7f: {  	_ =	shalt  }
0x80: {  	_ =	shalt  }
0x81: {  	_ =	shalt  }
0x82: {  	_ =	shalt  }
0x83: {  	_ =	shalt  }
0x84: {  	_ =	shalt  }
0x85: {  	_ =	shalt  }
0x86: {  	_ =	shalt  }
0x87: {  	_ =	shalt  }
.Lfunc_end0:
.L_simem_size_0:
called_computation_lowered:
.L_overlay_start_0:
0x88: {  	s2 =	sld [smem:$0x3FD9]  }
0x89: {  	s3 =	sld [smem:$0x3FFE];
	_ =	sdelay $0x1  }
0x8a: {  	s1 =	srdreg.scid  }
0x8b: {  	s0 =	sand.u32 $0x1, s1  }
0x8c: {  	s15 =	sshll.u32 s0, $0xA;
	s2 =	sadd.s32 s3, s2  }
0x8d: {  	s2 =	sadd.s32 s2, s15  }
0x8e: {  	[smem:$0x3FC6] =	sst s2  }
0x8f: {  	_ = 	snop  }
0x90: {  	s2 =	sld [smem:$0x3FD0];
	_ =	sdelay $0x2  }
0x91: {  	s4 =	simm.s32 $0xB;
	s5 =	simm.s32 $0x10;
	s16 =	sld [smem:$0x3FC8]  }
0x92: {  	[smem:s5], [sflag:s4] =	dma.local [hbm:s2], $0x1  }
0x93: {  	_ =	swait.eq [sflag:s4], $0x1  }
0x94: {  	[sflag:s4] =	ssyncset.done $0x0  }
0x95: {  	s17 =	sld [smem:$0x10];
	[sflag:s4] =	ssyncadd.s32 $0xFFFFFFFF  }
0x96: {  	s18 =	sld [smem:$0x11];
	(tm) =	ssettm $0x1  }
0x97: {  	s19 =	sld [smem:$0x3FFB];
	_ =	sdelay $0x3  }
0x98: {  	_ =	strace s19  }
0x99: {  	s5 =	sld [smem:$0x3FFC];
	_ =	sdelay $0x3  }
0x9a: {  	_ =	strace s5  }
0x9b: {  	s5 =	sld [smem:$0x3FFD];
	_ =	sdelay $0x3  }
0x9c: {  	_ =	strace s5  }
0x9d: {  	_ =	strace $0x8FFFFFFF  }
0x9e: {  	s20 =	sld [smem:$0x3FDB];
	_ =	sdelay $0x1  }
0x9f: {  	s6 =	simm.s32 $_scs_section_size  }
0xa0: {  	s7 =	simm.s32 $_size__tile_overlayer_lowered;
	s8 =	simm.s32 $_tile_overlayer_lowered  }
0xa1: {  	s23 =	simm.s32 $0x1BFF;
	s22 =	sshll.u32 s8, $0x1;
	s5 =	sadd.s32 s6, s20  }
0xa2: {  	s9 =	simm.s32 $0x0;
	s21 =	sshll.u32 s7, $0x1;
	s7 =	sadd.s32 s22, s5  }
0xa3: {  	[timem:s9], [sflag:s23] =	dma.local [hbm:s7], s21  }
0xa4: {  	_ =	swait.ge [sflag:s23], s21  }
0xa5: {  	s6 =	ssub.s32 $0x0, s21;
	[sflag:s23] =	ssyncset.done $0x0  }
0xa6: {  	[sflag:s23] =	ssyncadd.s32 s6;
	_ =	sdelay $0x1  }
0xa7: {  	s24 =	simm.s32 $0x1B8B  }
0xa8: {  	_ =	swait.ge [sflag:s24], $0x1  }
0xa9: {  	[sflag:s24] =	ssyncset.done $0x0  }
0xaa: {  	s25 =	simm.s32 $0x1B8E;
	[sflag:s24] =	ssyncadd.s32 $0xFFFFFFFF  }
0xab: {  	s26 =	simm.s32 $execute0_lowered;
	[smem:$0x3FD2] =	sst s25  }
0xac: {  	s6 =	sshll.u32 s26, $0x1;
	_ =	strace $0x80000046;
	[dreg:$0x1] =	wrdreg $0xFFFFFFFF  }
0xad: {  	s28 =	simm.s32 $_size_execute0_lowered;
	s5 =	sadd.s32 s5, s6;
	[dreg:$0x0] =	wrdreg $0x0  }
0xae: {  	s6 =	sshll.u32 s28, $0x1;
	[dreg:$0x2] =	wrdreg s5  }
0xaf: {  	[dreg:$0x3] =	wrdreg s6  }
0xb0: {  	[dreg:$0x4] =	wrdreg $0xC0  }
0xb1: {  	_ =	task [dreg:s9], $0x5FFFF  }
0xb2: {  	[dreg:$0x1] =	wrdreg $0xFFFFFFFF  }
0xb3: {  	[dreg:$0x0] =	wrdreg $0x60  }
0xb4: {  	[dreg:$0x2] =	wrdreg s16  }
0xb5: {  	[dreg:$0x3] =	wrdreg s18  }
0xb6: {  	[dreg:$0x4] =	wrdreg s17  }
0xb7: {  	[dreg:$0x5] =	wrdreg $0x9  }
0xb8: {  	_ =	task.clear_ibuf [dreg:s9], $0x6FFFF;
	_ =	strace $0x90000046  }
0xb9: {  	s29 =	simm.s32 $0x9;
	_ =	strace $0x80000048  }
0xba: {  	_ =	swait.ge [sflag:s29], $0x1  }
0xbb: {  	[sflag:s29] =	ssyncadd.s32 $0xFFFFFFFF  }
0xbc: {  	_ =	strace $0x90000048  }
0xbd: {  	_ =	sfence  }
0xbe: {  	s30 =	sld [smem:$0x0];
	_ =	sdelay $0x2  }
0xbf: {  	s31 =	sshll.u32 s1, $0xD;
	s1 =	sshrl.u32 s1, $0x2  }
0xc0: {  	s3 =	sand.u32 $0x4000, s31;
	s1 =	sadd.s32 s1, s30  }
0xc1: {  	s0 =	sor.u32 s3, s0;
	s1 =	sshll.u32 s1, $0x11  }
0xc2: {  	s0 =	sor.u32 s1, s0  }
0xc3: {  	s0 =	sadd.s32 $0x8F2B, s0  }
0xc4: {  	[sflag:s0] =	ssyncadd.remote.s32 $0x1  }
0xc5: {  	_ =	sfence.sel $0xFFFF  }
0xc6: {  	[dreg:$0x0] =	wrdreg $0xFFFFFFFF;
	(pc) =	sbr.abs _section_cstart, $3  }
0xc7: {  	[dreg:$0x1] =	wrdreg $0xFFFFFFFF  }
0xc8: {  	_ =	task.clear_ibuf [dreg:s9], $0x2FFFF;
	_ =	strace $0x9FFFFFFF  }
0xc9: {  	(tm) =	ssettm $0x7FFFFFFF  }
tec
execute0_lowered:
.L_overlay_start_1:
0x0: {  	(tag) =	ssettag $0x1  }
0x1: {  	s1 =	rddreg [dreg:$0x0]  }
0x2: {  	s2 =	srdreg.scid;
	s4 =	rddreg [dreg:$0x1]  }
0x3: {  	s0 =	stileid.u32;
	s5 =	rddreg [dreg:$0x2];
	s24 =	simm.s32 $0x80  }
0x4: {  	s25 =	simm.s32 $0x900;
	s26 =	simm.s32 $0x1100;
	s10 =	simm.s32 $0x3100  }
0x5: {  	s11 =	simm.s32 $0x3900;
	s12 =	simm.s32 $0x4100;
	s13 =	simm.s32 $0x4900  }
0x6: {  	s14 =	simm.s32 $0x5100;
	s15 =	simm.s32 $0x5900;
	s16 =	simm.s32 $0x6100  }
0x7: {  	s17 =	simm.s32 $0x6900;
	s18 =	simm.s32 $0x7100;
	s19 =	simm.s32 $0x7900  }
0x8: {  	s28 =	simm.s32 $0xB900;
	s2 =	sand.u32 $0x1, s2;
	s3 =	sshll.u32 s0, $0x1  }
0x9: {  	s29 =	simm.s32 $0x2;
	s6 =	sor.u32 s2, s3;
	s3 =	simm.s32 $0x0  }
0xa: {  	s30 =	simm.s32 $0x3;
	s31 =	simm.s32 $0x4;
	[smem:$0x7FF] =	sst s3  }
0xb: {  	s2 =	ssub.s32 $0x2, s2;
	_ =	strace $0x80000047;
	[dreg:$0x8] =	wrdreg s24  }
0xc: {  	s7 =	smul.u32 $0xC0, s6;
	s22 =	sshrl.u32 s2, $0x1;
	[dreg:$0x9] =	wrdreg s25  }
0xd: {  	s6 =	smul.u32 $0x1800, s6;
	s2 =	ssub.s32 s2, s22;
	[dreg:$0xa] =	wrdreg s26  }
0xe: {  	s22 =	simm.s32 $0x9100;
	s24 =	simm.s32 $0xA100;
	s25 =	simm.s32 $0xA900  }
0xf: {  	s26 =	simm.s32 $0xB100;
	s8 =	sshrl.u32 s7, $0x3;
	s7 =	sadd.s32 $0x60, s7  }
0x10: {  	s20 =	sadd.s32 s5, s6;
	s6 =	simm.s32 $0x100;
	s8 =	sadd.s32 s4, s8  }
0x11: {  	s9 =	sshrl.u32 s7, $0x3;
	s21 =	sshll.u32 s7, $0x5;
	[dreg:$0x6] =	wrdreg s20  }
0x12: {  	s20 =	simm.s32 $0x8100;
	[dreg:$0x4] =	wrdreg s8;
	s4 =	sadd.s32 s4, s9  }
0x13: {  	v2 =	vlaneseq.u32;
	s23 =	sadd.s32 s5, s21;
	s5 =	simm.s32 $0x1;
	[dreg:$0x5] =	wrdreg s4  }
0x14: {  	vm0 =	vmmov $0xffff;
	v1 =	vshrl.u32 v2, $0x3;
	s9 =	simm.s32 $0x2900;
	s21 =	simm.s32 $0x8900;
	[dreg:$0x7] =	wrdreg s23  }
0x15: {  	v0 =	vand.u32 $0x7, v2;
	v2 =	vor.u32 $0x8, v2;
	v1 =	vmul.u32 $0x8, v1;
	s4 =	smax.u32 s2, $0x1;
	s23 =	simm.s32 $0x9900;
	s2 =	simm.s32 $0x5  }
.LBB2_1:
0x16: {  	s0 =	rddreg [dreg:$0x4]  }
0x17: {  	s7 =	rddreg [dreg:$0x5]  }
0x18: {  	[tilespmem:s3], [sflag:$0x1] =	stream.linear.gather [hbm4b:s0+s3], $0x60, $0x38;
	[tilespmem:$0xC100] =	vst v63  }
0x19: {  	s8 =	rddreg [dreg:$0x8]  }
0x1a: {  	[tilespmem:s8], [sflag:$0x1] =	stream.linear.gather [hbm4b:s7+s3], $0x60, $0x38;
	[tilespmem:$0xC100] =	vst v63  }
0x1b: {  	_ =	swait.ge [sflag:s5], $0x60  }
0x1c: {  	[sflag:s5] =	ssyncset.done $0x0  }
0x1d: {  	[sflag:s5] =	ssyncadd.s32 $0xFFFFFFA0  }
0x1e: {  	_ =	swait.ge [sflag:s5], $0x60  }
0x1f: {  	[sflag:s5] =	ssyncset.done $0x0  }
0x20: {  	[sflag:s5] =	ssyncadd.s32 $0xFFFFFFA0  }
0x21: {  	v3 =	vld [tilespmem:$0x0];
	_ =	sdelay $0x4  }
0x22: {  	v4 =	vshll.u32 v3, $0x1  }
0x23: {  	v3 =	vand.u32 $0x7, v3;
	v4 =	vand.u32 $0xFFFFFFF0, v4  }
0x24: {  	v3 =	vor.u32 v3, v4  }
0x25: {  	v4 =	vperm.xlane v3, v0;
	_ =	sdelay $0x1  }
0x26: {  	v3 =	vperm.xlane v3, v2;
	v4 =	vadd.s32 v1, v4;
	_ =	sdelay $0x1  }
0x27: {  	v3 =	vadd.s32 v1, v3;
	_ =	sdelay $0x2  }
0x28: {  	[tilespmem:s6], [sflag:$0x2] =	stream.indirect_vreg.gather [hbm4b:s1+s3], $0x80, v4, vm0, $0xb8;
	[tilespmem:$0xC100] =	vst v63  }
0x29: {  	s7 =	rddreg [dreg:$0x9]  }
0x2a: {  	[tilespmem:s7], [sflag:$0x2] =	stream.indirect_vreg.gather [hbm4b:s1+s3], $0x80, v3, vm0, $0xb8;
	[tilespmem:$0xC100] =	vst v63  }
0x2b: {  	v3 =	vld [tilespmem:$0x10];
	_ =	sdelay $0x4  }
0x2c: {  	v53 =	vshll.u32 v3, $0x1  }
0x2d: {  	v3 =	vand.u32 $0x7, v3;
	v4 =	vand.u32 $0xFFFFFFF0, v53  }
0x2e: {  	v3 =	vor.u32 v3, v4  }
0x2f: {  	v4 =	vperm.xlane v3, v0;
	_ =	sdelay $0x1  }
0x30: {  	v3 =	vperm.xlane v3, v2;
	v4 =	vadd.s32 v1, v4;
	_ =	sdelay $0x1  }
0x31: {  	v3 =	vadd.s32 v1, v3;
	_ =	sdelay $0x1  }
0x32: {  	s8 =	rddreg [dreg:$0xa]  }
0x33: {  	[tilespmem:s8], [sflag:$0x2] =	stream.indirect_vreg.gather [hbm4b:s1+s3], $0x80, v4, vm0, $0xb8;
	[tilespmem:$0xC100] =	vst v63  }
0x34: {  	s7 =	simm.s32 $0x1900  }
0x35: {  	[tilespmem:s7], [sflag:$0x2] =	stream.indirect_vreg.gather [hbm4b:s1+s3], $0x80, v3, vm0, $0xb8;
	[tilespmem:$0xC100] =	vst v63  }
0x36: {  	v3 =	vld [tilespmem:$0x20];
	_ =	sdelay $0x4  }
0x37: {  	v54 =	vshll.u32 v3, $0x1  }
0x38: {  	v3 =	vand.u32 $0x7, v3;
	v4 =	vand.u32 $0xFFFFFFF0, v54  }
0x39: {  	v3 =	vor.u32 v3, v4  }
0x3a: {  	v4 =	vperm.xlane v3, v0;
	_ =	sdelay $0x1  }
0x3b: {  	v3 =	vperm.xlane v3, v2;
	v4 =	vadd.s32 v1, v4;
	_ =	sdelay $0x1  }
0x3c: {  	v3 =	vadd.s32 v1, v3;
	_ =	sdelay $0x1  }
0x3d: {  	s8 =	simm.s32 $0x2100  }
0x3e: {  	[tilespmem:s8], [sflag:$0x2] =	stream.indirect_vreg.gather [hbm4b:s1+s3], $0x80, v4, vm0, $0xb8;
	[tilespmem:$0xC100] =	vst v63  }
0x3f: {  	_ = 	snop  }
0x40: {  	[tilespmem:s9], [sflag:$0x2] =	stream.indirect_vreg.gather [hbm4b:s1+s3], $0x80, v3, vm0, $0xb8;
	[tilespmem:$0xC100] =	vst v63  }
0x41: {  	v3 =	vld [tilespmem:$0x30];
	_ =	sdelay $0x4  }
0x42: {  	v55 =	vshll.u32 v3, $0x1  }
0x43: {  	v3 =	vand.u32 $0x7, v3;
	v4 =	vand.u32 $0xFFFFFFF0, v55  }
0x44: {  	v3 =	vor.u32 v3, v4  }
0x45: {  	v4 =	vperm.xlane v3, v0;
	_ =	sdelay $0x1  }
0x46: {  	v3 =	vperm.xlane v3, v2;
	v4 =	vadd.s32 v1, v4;
	_ =	sdelay $0x1  }
0x47: {  	v3 =	vadd.s32 v1, v3;
	_ =	sdelay $0x2  }
0x48: {  	[tilespmem:s10], [sflag:$0x2] =	stream.indirect_vreg.gather [hbm4b:s1+s3], $0x80, v4, vm0, $0xb8;
	[tilespmem:$0xC100] =	vst v63  }
0x49: {  	_ = 	snop  }
0x4a: {  	[tilespmem:s11], [sflag:$0x2] =	stream.indirect_vreg.gather [hbm4b:s1+s3], $0x80, v3, vm0, $0xb8;
	[tilespmem:$0xC100] =	vst v63  }
0x4b: {  	v3 =	vld [tilespmem:$0x40];
	_ =	sdelay $0x4  }
0x4c: {  	v56 =	vshll.u32 v3, $0x1  }
0x4d: {  	v3 =	vand.u32 $0x7, v3;
	v4 =	vand.u32 $0xFFFFFFF0, v56  }
0x4e: {  	v3 =	vor.u32 v3, v4  }
0x4f: {  	v4 =	vperm.xlane v3, v0;
	_ =	sdelay $0x1  }
0x50: {  	v3 =	vperm.xlane v3, v2;
	v4 =	vadd.s32 v1, v4;
	_ =	sdelay $0x1  }
0x51: {  	v3 =	vadd.s32 v1, v3;
	_ =	sdelay $0x2  }
0x52: {  	[tilespmem:s12], [sflag:$0x2] =	stream.indirect_vreg.gather [hbm4b:s1+s3], $0x80, v4, vm0, $0xb8;
	[tilespmem:$0xC100] =	vst v63  }
0x53: {  	_ = 	snop  }
0x54: {  	[tilespmem:s13], [sflag:$0x2] =	stream.indirect_vreg.gather [hbm4b:s1+s3], $0x80, v3, vm0, $0xb8;
	[tilespmem:$0xC100] =	vst v63  }
0x55: {  	v3 =	vld [tilespmem:$0x50];
	_ =	sdelay $0x4  }
0x56: {  	v57 =	vshll.u32 v3, $0x1  }
0x57: {  	v3 =	vand.u32 $0x7, v3;
	v4 =	vand.u32 $0xFFFFFFF0, v57  }
0x58: {  	v3 =	vor.u32 v3, v4  }
0x59: {  	v4 =	vperm.xlane v3, v0;
	_ =	sdelay $0x1  }
0x5a: {  	v3 =	vperm.xlane v3, v2;
	v4 =	vadd.s32 v1, v4;
	_ =	sdelay $0x1  }
0x5b: {  	v3 =	vadd.s32 v1, v3;
	_ =	sdelay $0x2  }
0x5c: {  	[tilespmem:s14], [sflag:$0x2] =	stream.indirect_vreg.gather [hbm4b:s1+s3], $0x80, v4, vm0, $0xb8;
	[tilespmem:$0xC100] =	vst v63  }
0x5d: {  	_ = 	snop  }
0x5e: {  	[tilespmem:s15], [sflag:$0x2] =	stream.indirect_vreg.gather [hbm4b:s1+s3], $0x80, v3, vm0, $0xb8;
	[tilespmem:$0xC100] =	vst v63  }
0x5f: {  	v3 =	vld [tilespmem:$0x80];
	_ =	sdelay $0x4  }
0x60: {  	v58 =	vshll.u32 v3, $0x1  }
0x61: {  	v3 =	vand.u32 $0x7, v3;
	v4 =	vand.u32 $0xFFFFFFF0, v58  }
0x62: {  	v3 =	vor.u32 v3, v4  }
0x63: {  	v4 =	vperm.xlane v3, v0;
	_ =	sdelay $0x1  }
0x64: {  	v3 =	vperm.xlane v3, v2;
	v4 =	vadd.s32 v1, v4;
	_ =	sdelay $0x1  }
0x65: {  	v3 =	vadd.s32 v1, v3;
	_ =	sdelay $0x2  }
0x66: {  	[tilespmem:s16], [sflag:$0x3] =	stream.indirect_vreg.gather [hbm4b:s1+s3], $0x80, v4, vm0, $0xb8;
	[tilespmem:$0xC100] =	vst v63  }
0x67: {  	_ = 	snop  }
0x68: {  	[tilespmem:s17], [sflag:$0x3] =	stream.indirect_vreg.gather [hbm4b:s1+s3], $0x80, v3, vm0, $0xb8;
	[tilespmem:$0xC100] =	vst v63  }
0x69: {  	v3 =	vld [tilespmem:$0x90];
	_ =	sdelay $0x4  }
0x6a: {  	v59 =	vshll.u32 v3, $0x1  }
0x6b: {  	v3 =	vand.u32 $0x7, v3;
	v4 =	vand.u32 $0xFFFFFFF0, v59  }
0x6c: {  	v3 =	vor.u32 v3, v4  }
0x6d: {  	v4 =	vperm.xlane v3, v0;
	_ =	sdelay $0x1  }
0x6e: {  	v3 =	vperm.xlane v3, v2;
	v4 =	vadd.s32 v1, v4;
	_ =	sdelay $0x1  }
0x6f: {  	v3 =	vadd.s32 v1, v3;
	_ =	sdelay $0x2  }
0x70: {  	[tilespmem:s18], [sflag:$0x3] =	stream.indirect_vreg.gather [hbm4b:s1+s3], $0x80, v4, vm0, $0xb8;
	[tilespmem:$0xC100] =	vst v63  }
0x71: {  	_ = 	snop  }
0x72: {  	[tilespmem:s19], [sflag:$0x3] =	stream.indirect_vreg.gather [hbm4b:s1+s3], $0x80, v3, vm0, $0xb8;
	[tilespmem:$0xC100] =	vst v63  }
0x73: {  	v3 =	vld [tilespmem:$0xA0];
	_ =	sdelay $0x4  }
0x74: {  	v60 =	vshll.u32 v3, $0x1  }
0x75: {  	v3 =	vand.u32 $0x7, v3;
	v4 =	vand.u32 $0xFFFFFFF0, v60  }
0x76: {  	v3 =	vor.u32 v3, v4  }
0x77: {  	v4 =	vperm.xlane v3, v0;
	_ =	sdelay $0x1  }
0x78: {  	v3 =	vperm.xlane v3, v2;
	v4 =	vadd.s32 v1, v4;
	_ =	sdelay $0x1  }
0x79: {  	v3 =	vadd.s32 v1, v3;
	_ =	sdelay $0x2  }
0x7a: {  	[tilespmem:s20], [sflag:$0x3] =	stream.indirect_vreg.gather [hbm4b:s1+s3], $0x80, v4, vm0, $0xb8;
	[tilespmem:$0xC100] =	vst v63  }
0x7b: {  	_ = 	snop  }
0x7c: {  	[tilespmem:s21], [sflag:$0x3] =	stream.indirect_vreg.gather [hbm4b:s1+s3], $0x80, v3, vm0, $0xb8;
	[tilespmem:$0xC100] =	vst v63  }
0x7d: {  	v3 =	vld [tilespmem:$0xB0];
	_ =	sdelay $0x4  }
0x7e: {  	v61 =	vshll.u32 v3, $0x1  }
0x7f: {  	v3 =	vand.u32 $0x7, v3;
	v4 =	vand.u32 $0xFFFFFFF0, v61  }
0x80: {  	v3 =	vor.u32 v3, v4  }
0x81: {  	v4 =	vperm.xlane v3, v0;
	_ =	sdelay $0x1  }
0x82: {  	v3 =	vperm.xlane v3, v2;
	v4 =	vadd.s32 v1, v4;
	_ =	sdelay $0x1  }
0x83: {  	v3 =	vadd.s32 v1, v3;
	_ =	sdelay $0x2  }
0x84: {  	[tilespmem:s22], [sflag:$0x3] =	stream.indirect_vreg.gather [hbm4b:s1+s3], $0x80, v4, vm0, $0xb8;
	[tilespmem:$0xC100] =	vst v63  }
0x85: {  	_ = 	snop  }
0x86: {  	[tilespmem:s23], [sflag:$0x3] =	stream.indirect_vreg.gather [hbm4b:s1+s3], $0x80, v3, vm0, $0xb8;
	[tilespmem:$0xC100] =	vst v63  }
0x87: {  	v3 =	vld [tilespmem:$0xC0];
	_ =	sdelay $0x4  }
0x88: {  	v62 =	vshll.u32 v3, $0x1  }
0x89: {  	v3 =	vand.u32 $0x7, v3;
	v4 =	vand.u32 $0xFFFFFFF0, v62  }
0x8a: {  	v3 =	vor.u32 v3, v4  }
0x8b: {  	v4 =	vperm.xlane v3, v0;
	_ =	sdelay $0x1  }
0x8c: {  	v3 =	vperm.xlane v3, v2;
	v4 =	vadd.s32 v1, v4;
	_ =	sdelay $0x1  }
0x8d: {  	v3 =	vadd.s32 v1, v3;
	_ =	sdelay $0x2  }
0x8e: {  	[tilespmem:s24], [sflag:$0x3] =	stream.indirect_vreg.gather [hbm4b:s1+s3], $0x80, v4, vm0, $0xb8;
	[tilespmem:$0xC100] =	vst v63  }
0x8f: {  	_ = 	snop  }
0x90: {  	[tilespmem:s25], [sflag:$0x3] =	stream.indirect_vreg.gather [hbm4b:s1+s3], $0x80, v3, vm0, $0xb8;
	[tilespmem:$0xC100] =	vst v63  }
0x91: {  	v3 =	vld [tilespmem:$0xD0];
	_ =	sdelay $0x4  }
0x92: {  	v63 =	vshll.u32 v3, $0x1  }
0x93: {  	v3 =	vand.u32 $0x7, v3;
	v4 =	vand.u32 $0xFFFFFFF0, v63  }
0x94: {  	v3 =	vor.u32 v3, v4  }
0x95: {  	v4 =	vperm.xlane v3, v0;
	_ =	sdelay $0x1  }
0x96: {  	v3 =	vperm.xlane v3, v2;
	v4 =	vadd.s32 v1, v4;
	_ =	sdelay $0x1  }
0x97: {  	v3 =	vadd.s32 v1, v3;
	_ =	sdelay $0x2  }
0x98: {  	[tilespmem:s26], [sflag:$0x3] =	stream.indirect_vreg.gather [hbm4b:s1+s3], $0x80, v4, vm0, $0xb8;
	[tilespmem:$0xC100] =	vst v63  }
0x99: {  	_ = 	snop  }
0x9a: {  	[tilespmem:s28], [sflag:$0x3] =	stream.indirect_vreg.gather [hbm4b:s1+s3], $0x80, v3, vm0, $0xb8;
	[tilespmem:$0xC100] =	vst v63  }
0x9b: {  	_ =	swait.ge [sflag:s29], $0x6000  }
0x9c: {  	[sflag:s29] =	ssyncset.done $0x0  }
0x9d: {  	s7 =	rddreg [dreg:$0x6];
	[sflag:s29] =	ssyncadd.s32 $0xFFFFA000  }
0x9e: {  	[hbm4b:s7+s3] =	stream.linear.scatter [tilespmem:s6], [sflag:$0x4], $0x6000, $0x38;
	[tilespmem:$0xC100] =	vst v63  }
0x9f: {  	_ =	swait.ge [sflag:s30], $0x6000  }
0xa0: {  	[sflag:s30] =	ssyncset.done $0x0  }
0xa1: {  	s8 =	rddreg [dreg:$0x7];
	[sflag:s30] =	ssyncadd.s32 $0xFFFFA000  }
0xa2: {  	[hbm4b:s8+s3] =	stream.linear.scatter [tilespmem:s16], [sflag:$0x5], $0x6000, $0x38;
	[tilespmem:$0xC100] =	vst v63  }
0xa3: {  	p0 =	sne.s32 s4, $0x1;
	_ =	swait.ge [sflag:s31], $0x6000  }
.Ltmp0:
0xa4: {  	[sflag:s31] =	ssyncset.done $0x0;
	(pc) =	sbr.rel @p0 .LBB2_1-.Ltmp0, $4  }
0xa5: {  	[sflag:s31] =	ssyncadd.s32 $0xFFFFA000  }
0xa6: {  	_ =	swait.ge [sflag:s2], $0x6000  }
0xa7: {  	[sflag:s2] =	ssyncset.done $0x0  }
0xa8: {  	s4 =	sadd.s32 $0xFFFFFFFF, s4;
	[sflag:s2] =	ssyncadd.s32 $0xFFFFA000  }
0xa9: {  	_ =	sfence.sel $0x180000  }
0xaa: {  	[bflag:$0x0] =	sbarrier.arrive $0xFFFF  }
0xab: {  	_ =	strace $0x90000047  }
0xac: {  	s0 =	stileid.u32;
	[bflag:$0x2] =	sbarrier.arrive $0xFFFF  }
0xad: {  	p0 =	sne.s32 s0, $0x0;
	s0 =	rddreg [dreg:$0x3]  }
0xae: {  	s0 =	sadd.s32 @!p0 $0x100000, s0  }
0xaf: {  	[sflag:s0] =	ssyncadd.tile.s32 @!p0 $0x1;
	_ =	shalt  }
.Lfunc_end2:
_tile_overlayer_lowered:
.L_overlay_start_2:
0xb0: {  	(tag) =	ssettag $0x2  }
0xb1: {  	s0 =	rddreg [dreg:$0x0];
	s2 =	stileid.u32  }
0xb2: {  	s1 =	rddreg [dreg:$0x1];
	p0 =	sne.s32 s2, $0x0  }
0xb3: {  	s3 =	rddreg [dreg:$0x2];
	[bflag:$0x3] =	sbarrier.arrive $0xFFFF;
	s2 =	simm.s32 @!p0 $0x1C06  }
0xb4: {  	[timem:s3], [sflag:s2] =	dma.local @!p0 [hbm:s0], s1  }
0xb5: {  	s0 =	simm.s32 @!p0 $0x6  }
0xb6: {  	_ =	swait.ge @!p0 [sflag:s0], s1  }
0xb7: {  	s1 =	ssub.s32 @!p0 $0x0, s1;
	[sflag:s0] =	ssyncset.done @!p0 $0x0  }
0xb8: {  	[sflag:s0] =	ssyncadd.s32 @!p0 s1  }
0xb9: {  	[bflag:$0x3] =	sbarrier.arrive $0xFFFF  }
0xba: {  	_ =	shalt  }

</sc_bundles>
